<compile_context>
chip_gen: v7x
topology: tpu7x:2x2x1
jax: 0.10.2.dev20260603
libtpu: 0.0.44.dev20260713+nightly
codegen_flags: <defaults>
</compile_context>

<pallas_src>
import functools

import numpy as np
import jax
import jax.numpy as jnp
from jax import lax
from jax.experimental import pallas as pl
from jax.experimental.pallas import tpu as pltpu
from jax.experimental.pallas import tpu_sc as plsc

N = 10000
CH = 256
K = 27
TN = 5120
NT = (N + TN - 1) // TN
NPAD = NT * TN
GW = 128
NWORK = 32
NBUF = 2
ROWS = K * NPAD
_CHUNK = GW * NWORK * NBUF
L = ((ROWS + _CHUNK - 1) // _CHUNK) * _CHUNK
PER = L // NWORK
NWIN = PER // GW
assert NWIN % NBUF == 0


def _sc_gather(xpad, idx_flat):
    width = xpad.shape[1]

    @functools.partial(
        pl.kernel,
        out_type=jax.ShapeDtypeStruct((L, width), xpad.dtype),
        mesh=plsc.VectorSubcoreMesh(core_axis_name="c", subcore_axis_name="s"),
        scratch_types=[
            pltpu.VMEM((PER,), jnp.int32),
            pltpu.VMEM((NBUF, GW, width), xpad.dtype),
            pltpu.SemaphoreType.DMA((NBUF,)),
            pltpu.SemaphoreType.DMA((NBUF,)),
            pltpu.SemaphoreType.DMA,
        ],
    )
    def kern(x_hbm, i_hbm, o_hbm, idx_v, rows_v, gsem, osem, isem):
        wid = lax.axis_index("s") * 2 + lax.axis_index("c")
        base = wid * PER
        pltpu.async_copy(i_hbm.at[pl.ds(base, PER)], idx_v, isem).wait()

        def gather_start(w, b):
            pltpu.make_async_copy(
                x_hbm.at[idx_v.at[pl.ds(w * GW, GW)]],
                rows_v.at[b], gsem.at[b]).start()

        def write_start(w, b):
            pltpu.make_async_copy(
                rows_v.at[b],
                o_hbm.at[pl.ds(base + w * GW, GW)], osem.at[b]).start()

        def gather_wait(b):
            pltpu.make_async_copy(
                x_hbm.at[idx_v.at[pl.ds(0, GW)]],
                rows_v.at[b], gsem.at[b]).wait()

        def write_wait(w, b):
            pltpu.make_async_copy(
                rows_v.at[b],
                o_hbm.at[pl.ds(base + w * GW, GW)], osem.at[b]).wait()

        for b in range(NBUF):
            gather_start(b, b)

        @pl.loop(0, NWIN, step=NBUF)
        def _(g):
            for b in range(NBUF):
                w = g + b
                gather_wait(b)
                write_start(w, b)

                @pl.when(w + NBUF < NWIN)
                def _():
                    write_wait(w, b)
                    gather_start(w + NBUF, b)

        for b in range(NBUF):
            write_wait(NWIN - NBUF + b, b)

    return kern(xpad, idx_flat)


HW = CH // 2
_HIMASK = np.uint32(0xFFFF0000)


def _unpack(p):
    u = lax.bitcast_convert_type(p, jnp.uint32)
    lo = lax.bitcast_convert_type(u << 16, jnp.float32)
    hi = lax.bitcast_convert_type(u & _HIMASK, jnp.float32)
    return jnp.concatenate([lo, hi], axis=1).astype(jnp.bfloat16)


def _pack(x):
    b = x.astype(jnp.bfloat16)
    ulo = lax.bitcast_convert_type(
        b[:, :HW].astype(jnp.float32), jnp.uint32)
    uhi = lax.bitcast_convert_type(
        b[:, HW:].astype(jnp.float32), jnp.uint32)
    return lax.bitcast_convert_type((ulo >> 16) | (uhi & _HIMASK),
                                    jnp.float32)


def _tc_conv(g, w, b, a, res, out_shape, out_dtype, mask_tail, pack_out):
    residual = res is not None

    def body(*refs):
        if residual:
            g_ref, w_ref, b_ref, a_ref, res_ref, o_ref, acc_ref = refs
        else:
            g_ref, w_ref, b_ref, a_ref, o_ref, acc_ref = refs
        k = pl.program_id(1)

        @pl.when(k == 0)
        def _():
            acc_ref[...] = jnp.zeros_like(acc_ref)

        acc_ref[...] += jnp.dot(_unpack(g_ref[...]), w_ref[k],
                                preferred_element_type=jnp.float32)

        @pl.when(k == K - 1)
        def _():
            x = acc_ref[...] + b_ref[...]
            if residual:
                x = x + res_ref[...]
            x = jnp.where(x >= 0, x, a_ref[0, 0] * x)
            if mask_tail:
                nt = pl.program_id(0)
                rows = nt * TN + jax.lax.broadcasted_iota(
                    jnp.int32, (TN, CH), 0)
                x = jnp.where(rows < N, x, 0.0)
            if pack_out:
                o_ref[...] = _pack(x)
            else:
                o_ref[...] = x.astype(o_ref.dtype)

    in_specs = [
        pl.BlockSpec((TN, HW), lambda nt, k: (k * NT + nt, 0)),
        pl.BlockSpec((K, CH, CH), lambda nt, k: (0, 0, 0)),
        pl.BlockSpec((1, CH), lambda nt, k: (0, 0)),
        pl.BlockSpec((1, 1), lambda nt, k: (0, 0)),
    ]
    args = [g, w, b.reshape(1, CH), a.reshape(1, 1)]
    if residual:
        in_specs.append(pl.BlockSpec((TN, CH), lambda nt, k: (nt, 0)))
        args.append(res)

    ow = HW if pack_out else CH
    return pl.pallas_call(
        body,
        grid=(NT, K),
        in_specs=in_specs,
        out_specs=pl.BlockSpec((TN, ow), lambda nt, k: (nt, 0)),
        out_shape=jax.ShapeDtypeStruct(out_shape, out_dtype),
        scratch_shapes=[pltpu.VMEM((TN, CH), jnp.float32)],
        compiler_params=pltpu.CompilerParams(
            dimension_semantics=("parallel", "arbitrary")),
    )(*args)


def kernel(feats, nbr_idx, W1, b1, a1, W2, b2, a2):
    idxT = nbr_idx.T.astype(jnp.int32)
    idx_pad = jnp.full((K, NPAD), N, jnp.int32).at[:, :N].set(idxT)
    flat0 = jnp.full((L,), N, jnp.int32).at[:ROWS].set(
        idx_pad.reshape(-1))
    pos = jnp.arange(L, dtype=jnp.int32)
    idx_flat = jnp.where(flat0 == N, N + pos % (NPAD - N), flat0)

    w1b = W1.astype(jnp.bfloat16)
    w2b = W2.astype(jnp.bfloat16)

    fb = feats.astype(jnp.bfloat16)
    ulo = lax.bitcast_convert_type(
        fb[:, :HW].astype(jnp.float32), jnp.uint32)
    uhi = lax.bitcast_convert_type(
        fb[:, HW:].astype(jnp.float32), jnp.uint32)
    fpacked = lax.bitcast_convert_type((ulo >> 16) | (uhi & _HIMASK),
                                       jnp.float32)
    xpad0 = jnp.concatenate(
        [fpacked, jnp.zeros((NPAD - N, HW), jnp.float32)], axis=0)
    g1 = _sc_gather(xpad0, idx_flat)
    x1 = _tc_conv(g1, w1b, b1, a1, None, (NPAD, HW), jnp.float32,
                  mask_tail=True, pack_out=True)

    g2 = _sc_gather(x1, idx_flat)
    out = _tc_conv(g2, w2b, b2, a2, feats, (N, CH), jnp.float32,
                   mask_tail=False, pack_out=False)
    return out

# --- scband reference (transcript-rebuilt; emitter-appended) ---
"""Pipeline reference for scband-block-45801531245059 (READ-ONLY COPY).

The authoritative reference and input builder live on the scoring server;
editing this copy changes nothing except your own understanding.
"""

import jax, jax.numpy as jnp
import numpy as np

N = 10000
CH = 256
K = 27
GRID = 32

def _build_nbr():
    rng = np.random.default_rng(0)
    flat = rng.choice(GRID ** 3, size=N, replace=False)
    coords = np.stack(np.unravel_index(flat, (GRID, GRID, GRID)), axis=1).astype(np.int64)
    lut = {(int(c[0]), int(c[1]), int(c[2])): i for i, c in enumerate(coords)}
    offsets = [(dx, dy, dz) for dx in (-1, 0, 1) for dy in (-1, 0, 1) for dz in (-1, 0, 1)]
    nbr = np.full((N, K), N, dtype=np.int32)
    for k, (dx, dy, dz) in enumerate(offsets):
        for i in range(N):
            j = lut.get((int(coords[i, 0]) + dx, int(coords[i, 1]) + dy, int(coords[i, 2]) + dz))
            if j is not None:
                nbr[i, k] = j
    return jnp.asarray(nbr)

def setup_inputs(seed: int = 0):
    key = jax.random.key(seed)
    ks = jax.random.split(key, 6)
    scale = 1.0 / float(np.sqrt(K * CH))
    return {
        'feats': jax.random.normal(ks[0], (N, CH), jnp.float32),
        'nbr_idx': _build_nbr(),
        'W1': jax.random.normal(ks[1], (K, CH, CH), jnp.float32) * scale,
        'b1': jax.random.normal(ks[2], (CH,), jnp.float32) * 0.01,
        'a1': jnp.full((1,), 0.25, jnp.float32),
        'W2': jax.random.normal(ks[3], (K, CH, CH), jnp.float32) * scale,
        'b2': jax.random.normal(ks[4], (CH,), jnp.float32) * 0.01,
        'a2': jnp.full((1,), 0.25, jnp.float32),
    }

def _conv(x, nbr_idx, W, b):
    # submanifold sparse conv via precomputed kernel map:
    # gather neighbor features per kernel offset, matmul with per-offset weights, sum.
    xp = jnp.concatenate([x, jnp.zeros((1, x.shape[1]), x.dtype)], axis=0)  # sentinel row N = missing neighbor
    g = jnp.take(xp, nbr_idx, axis=0)  # [N, K, CH]
    return jnp.einsum('nkc,kcd->nd', g, W) + b

def _prelu(x, a):
    return jnp.where(x >= 0, x, a * x)

def reference(feats, nbr_idx, W1, b1, a1, W2, b2, a2):
    x = _prelu(_conv(feats, nbr_idx, W1, b1), a1)   # conv -> act
    x = _conv(x, nbr_idx, W2, b2) + feats            # conv2 -> residual add of org.F
    return _prelu(x, a2)                             # act2

if __name__ == "__main__":
    import jax
    _d = setup_inputs()
    print(jax.jit(kernel)(*tuple(_d.values())))

</pallas_src>

<mosaic_0001>
#map = affine_map<(d0, d1) -> (0, 0)>
#map1 = affine_map<(d0, d1) -> (0)>
module attributes {stable_mosaic.version = 14 : i64} {
  func.func @kern(%arg0: i32, %arg1: i32, %arg2: memref<10240x128xf32, #tpu.memory_space<hbm>>, %arg3: memref<278528xi32, #tpu.memory_space<hbm>>, %arg4: memref<278528x128xf32, #tpu.memory_space<hbm>>, %arg5: memref<8704xi32, #tpu.memory_space<vmem>>, %arg6: memref<2x128x128xf32, #tpu.memory_space<vmem>>, %arg7: memref<2x!tpu.dma_semaphore, #tpu.memory_space<semaphore_mem>>, %arg8: memref<2x!tpu.dma_semaphore, #tpu.memory_space<semaphore_mem>>, %arg9: memref<!tpu.dma_semaphore, #tpu.memory_space<semaphore_mem>>) attributes {dimension_semantics = [#tpu.dimension_semantics<core_parallel>, #tpu.dimension_semantics<subcore_parallel>], iteration_bounds = array<i64: 2, 16>, scalar_prefetch = 0 : i64, scratch_operands = 5 : i64, tpu.core_type = #tpu.core_type<sc_vector_subcore>, window_params = [{transform_indices = #map}, {transform_indices = #map1}, {transform_indices = #map}]} {
    %mul3A = arith.constant 2 : i32
    %mul3A_0 = arith.muli %arg1, %mul3A : i32
    %add3A = arith.addi %mul3A_0, %arg0 : i32
    %mul3A_1 = arith.constant 8704 : i32
    %mul3A_2 = arith.muli %add3A, %mul3A_1 : i32
    %dma_start3A = tpu.memref_slice %arg3[%mul3A_2] : memref<278528xi32, #tpu.memory_space<hbm>> -> memref<8704xi32, #tpu.memory_space<hbm>>
    %dma_start3A_3 = tpu.memref_slice %arg3[%mul3A_2] : memref<278528xi32, #tpu.memory_space<hbm>> -> memref<8704xi32, #tpu.memory_space<hbm>>
    tpu.enqueue_dma source(%dma_start3A_3 : memref<8704xi32, #tpu.memory_space<hbm>>) target(%arg5 : memref<8704xi32, #tpu.memory_space<vmem>>) target_semaphore(%arg9 : memref<!tpu.dma_semaphore, #tpu.memory_space<semaphore_mem>>)
    %dma_wait3A = tpu.memref_slice %arg3[%mul3A_2] : memref<278528xi32, #tpu.memory_space<hbm>> -> memref<8704xi32, #tpu.memory_space<hbm>>
    %dma_wait3A_4 = tpu.memref_slice %arg3[%mul3A_2] : memref<278528xi32, #tpu.memory_space<hbm>> -> memref<8704xi32, #tpu.memory_space<hbm>>
    tpu.wait_dma2 semaphore(%arg9 : memref<!tpu.dma_semaphore, #tpu.memory_space<semaphore_mem>>) src(%dma_wait3A_4 : memref<8704xi32, #tpu.memory_space<hbm>>) dst(%arg5 : memref<8704xi32, #tpu.memory_space<vmem>>)
    %dma_start3A_5 = arith.constant 0 : i32
    %dma_start3A_6 = arith.constant 0 : i32
    %dma_start3A_7 = arith.constant 0 : i32
    %dma_start3A_8 = arith.constant 0 : i32
    %dma_start3A_9 = tpu.memref_slice %arg6[%dma_start3A_5, %dma_start3A_7, %dma_start3A_8] : memref<2x128x128xf32, #tpu.memory_space<vmem>> -> memref<1x128x128xf32, #tpu.memory_space<vmem>>
    %dma_start3A_10 = tpu.memref_squeeze %dma_start3A_9 : memref<1x128x128xf32, #tpu.memory_space<vmem>> -> memref<128x128xf32, #tpu.memory_space<vmem>>
    %dma_start3A_11 = arith.constant 0 : i32
    %dma_start3A_12 = tpu.memref_slice %arg5[%dma_start3A_11] : memref<8704xi32, #tpu.memory_space<vmem>> -> memref<128xi32, #tpu.memory_space<vmem>>
    %dma_start3A_13 = arith.constant 0 : i32
    %dma_start3A_14 = arith.constant 0 : i32
    %dma_start3A_15 = tpu.memref_slice %arg2[%dma_start3A_13, %dma_start3A_14] : memref<10240x128xf32, #tpu.memory_space<hbm>> -> memref<10240x128xf32, #tpu.memory_space<hbm>>
    %dma_start3A_16 = tpu.memref_slice %arg7[%dma_start3A_6] : memref<2x!tpu.dma_semaphore, #tpu.memory_space<semaphore_mem>> -> memref<1x!tpu.dma_semaphore, #tpu.memory_space<semaphore_mem>>
    %dma_start3A_17 = tpu.memref_squeeze %dma_start3A_16 : memref<1x!tpu.dma_semaphore, #tpu.memory_space<semaphore_mem>> -> memref<!tpu.dma_semaphore, #tpu.memory_space<semaphore_mem>>
    tpu.enqueue_indirect_dma source(%dma_start3A_15 : memref<10240x128xf32, #tpu.memory_space<hbm>>) target(%dma_start3A_10 : memref<128x128xf32, #tpu.memory_space<vmem>>) offsets(%dma_start3A_12 : memref<128xi32, #tpu.memory_space<vmem>>) semaphore(%dma_start3A_17 : memref<!tpu.dma_semaphore, #tpu.memory_space<semaphore_mem>>)
    %dma_start3A_18 = arith.constant 1 : i32
    %dma_start3A_19 = arith.constant 1 : i32
    %dma_start3A_20 = arith.constant 0 : i32
    %dma_start3A_21 = arith.constant 0 : i32
    %dma_start3A_22 = tpu.memref_slice %arg6[%dma_start3A_18, %dma_start3A_20, %dma_start3A_21] : memref<2x128x128xf32, #tpu.memory_space<vmem>> -> memref<1x128x128xf32, #tpu.memory_space<vmem>>
    %dma_start3A_23 = tpu.memref_squeeze %dma_start3A_22 : memref<1x128x128xf32, #tpu.memory_space<vmem>> -> memref<128x128xf32, #tpu.memory_space<vmem>>
    %dma_start3A_24 = arith.constant 128 : i32
    %dma_start3A_25 = tpu.memref_slice %arg5[%dma_start3A_24] : memref<8704xi32, #tpu.memory_space<vmem>> -> memref<128xi32, #tpu.memory_space<vmem>>
    %dma_start3A_26 = arith.constant 0 : i32
    %dma_start3A_27 = arith.constant 0 : i32
    %dma_start3A_28 = tpu.memref_slice %arg2[%dma_start3A_26, %dma_start3A_27] : memref<10240x128xf32, #tpu.memory_space<hbm>> -> memref<10240x128xf32, #tpu.memory_space<hbm>>
    %dma_start3A_29 = tpu.memref_slice %arg7[%dma_start3A_19] : memref<2x!tpu.dma_semaphore, #tpu.memory_space<semaphore_mem>> -> memref<1x!tpu.dma_semaphore, #tpu.memory_space<semaphore_mem>>
    %dma_start3A_30 = tpu.memref_squeeze %dma_start3A_29 : memref<1x!tpu.dma_semaphore, #tpu.memory_space<semaphore_mem>> -> memref<!tpu.dma_semaphore, #tpu.memory_space<semaphore_mem>>
    tpu.enqueue_indirect_dma source(%dma_start3A_28 : memref<10240x128xf32, #tpu.memory_space<hbm>>) target(%dma_start3A_23 : memref<128x128xf32, #tpu.memory_space<vmem>>) offsets(%dma_start3A_25 : memref<128xi32, #tpu.memory_space<vmem>>) semaphore(%dma_start3A_30 : memref<!tpu.dma_semaphore, #tpu.memory_space<semaphore_mem>>)
    %scan3A = arith.constant 0 : i32
    %scan3A_31 = arith.constant 34 : i32
    %scan3A_32 = arith.addi %scan3A, %scan3A_31 : i32
    %scan3A_33 = arith.constant 1 : i32
    scf.for %scan3A_71 = %scan3A to %scan3A_32 step %scan3A_33  : i32 {
      %mul3A_72 = arith.constant 2 : i32
      %mul3A_73 = arith.muli %scan3A_71, %mul3A_72 : i32
      %add3A_74 = arith.constant 0 : i32
      %add3A_75 = arith.addi %add3A_74, %mul3A_73 : i32
      %add3A_76 = arith.constant 0 : i32
      %add3A_77 = arith.addi %add3A_75, %add3A_76 : i32
      %dma_wait3A_78 = arith.constant 0 : i32
      %dma_wait3A_79 = arith.constant 0 : i32
      %dma_wait3A_80 = arith.constant 0 : i32
      %dma_wait3A_81 = arith.constant 0 : i32
      %dma_wait3A_82 = tpu.memref_slice %arg6[%dma_wait3A_78, %dma_wait3A_80, %dma_wait3A_81] : memref<2x128x128xf32, #tpu.memory_space<vmem>> -> memref<1x128x128xf32, #tpu.memory_space<vmem>>
      %dma_wait3A_83 = tpu.memref_squeeze %dma_wait3A_82 : memref<1x128x128xf32, #tpu.memory_space<vmem>> -> memref<128x128xf32, #tpu.memory_space<vmem>>
      %dma_wait3A_84 = arith.constant 0 : i32
      %dma_wait3A_85 = tpu.memref_slice %arg5[%dma_wait3A_84] : memref<8704xi32, #tpu.memory_space<vmem>> -> memref<128xi32, #tpu.memory_space<vmem>>
      %dma_wait3A_86 = arith.constant 0 : i32
      %dma_wait3A_87 = arith.constant 0 : i32
      %dma_wait3A_88 = tpu.memref_slice %arg2[%dma_wait3A_86, %dma_wait3A_87] : memref<10240x128xf32, #tpu.memory_space<hbm>> -> memref<10240x128xf32, #tpu.memory_space<hbm>>
      %dma_wait3A_89 = tpu.memref_slice %arg7[%dma_wait3A_79] : memref<2x!tpu.dma_semaphore, #tpu.memory_space<semaphore_mem>> -> memref<1x!tpu.dma_semaphore, #tpu.memory_space<semaphore_mem>>
      %dma_wait3A_90 = tpu.memref_squeeze %dma_wait3A_89 : memref<1x!tpu.dma_semaphore, #tpu.memory_space<semaphore_mem>> -> memref<!tpu.dma_semaphore, #tpu.memory_space<semaphore_mem>>
      tpu.wait_indirect_dma semaphore(%dma_wait3A_90 : memref<!tpu.dma_semaphore, #tpu.memory_space<semaphore_mem>>) src(%dma_wait3A_88 : memref<10240x128xf32, #tpu.memory_space<hbm>>) dst(%dma_wait3A_83 : memref<128x128xf32, #tpu.memory_space<vmem>>)
      %mul3A_91 = arith.constant 128 : i32
      %mul3A_92 = arith.muli %add3A_77, %mul3A_91 : i32
      %add3A_93 = arith.addi %mul3A_2, %mul3A_92 : i32
      %dma_start3A_94 = arith.constant 0 : i32
      %dma_start3A_95 = arith.constant 0 : i32
      %dma_start3A_96 = arith.constant 0 : i32
      %dma_start3A_97 = arith.constant 0 : i32
      %dma_start3A_98 = tpu.memref_slice %arg6[%dma_start3A_94, %dma_start3A_96, %dma_start3A_97] : memref<2x128x128xf32, #tpu.memory_space<vmem>> -> memref<1x128x128xf32, #tpu.memory_space<vmem>>
      %dma_start3A_99 = tpu.memref_squeeze %dma_start3A_98 : memref<1x128x128xf32, #tpu.memory_space<vmem>> -> memref<128x128xf32, #tpu.memory_space<vmem>>
      %dma_start3A_100 = arith.constant 0 : i32
      %dma_start3A_101 = tpu.memref_slice %arg4[%add3A_93, %dma_start3A_100] : memref<278528x128xf32, #tpu.memory_space<hbm>> -> memref<128x128xf32, #tpu.memory_space<hbm>>
      %dma_start3A_102 = tpu.memref_slice %arg8[%dma_start3A_95] : memref<2x!tpu.dma_semaphore, #tpu.memory_space<semaphore_mem>> -> memref<1x!tpu.dma_semaphore, #tpu.memory_space<semaphore_mem>>
      %dma_start3A_103 = tpu.memref_squeeze %dma_start3A_102 : memref<1x!tpu.dma_semaphore, #tpu.memory_space<semaphore_mem>> -> memref<!tpu.dma_semaphore, #tpu.memory_space<semaphore_mem>>
      %dma_start3A_104 = arith.constant 0 : i32
      %dma_start3A_105 = tpu.memref_slice %arg4[%add3A_93, %dma_start3A_104] : memref<278528x128xf32, #tpu.memory_space<hbm>> -> memref<128x128xf32, #tpu.memory_space<hbm>>
      %dma_start3A_106 = arith.constant 0 : i32
      %dma_start3A_107 = arith.constant 0 : i32
      %dma_start3A_108 = tpu.memref_slice %arg6[%dma_start3A_94, %dma_start3A_106, %dma_start3A_107] : memref<2x128x128xf32, #tpu.memory_space<vmem>> -> memref<1x128x128xf32, #tpu.memory_space<vmem>>
      %dma_start3A_109 = tpu.memref_squeeze %dma_start3A_108 : memref<1x128x128xf32, #tpu.memory_space<vmem>> -> memref<128x128xf32, #tpu.memory_space<vmem>>
      tpu.enqueue_dma source(%dma_start3A_109 : memref<128x128xf32, #tpu.memory_space<vmem>>) target(%dma_start3A_105 : memref<128x128xf32, #tpu.memory_space<hbm>>) target_semaphore(%dma_start3A_103 : memref<!tpu.dma_semaphore, #tpu.memory_space<semaphore_mem>>)
      %add3A_110 = arith.constant 2 : i32
      %add3A_111 = arith.addi %add3A_77, %add3A_110 : i32
      %lt3A = arith.constant 68 : i32
      %lt3A_112 = arith.cmpi slt, %add3A_111, %lt3A : i32
      %convert_element_type3A = arith.extui %lt3A_112 : i1 to i32
      %cond3A = arith.constant 0 : i32
      %cond3A_113 = arith.cmpi ne, %convert_element_type3A, %cond3A : i32
      scf.if %cond3A_113 {
        %mul3A_155 = arith.constant 128 : i32
        %mul3A_156 = arith.muli %add3A_77, %mul3A_155 : i32
        %add3A_157 = arith.addi %mul3A_2, %mul3A_156 : i32
        %dma_wait3A_158 = arith.constant 0 : i32
        %dma_wait3A_159 = arith.constant 0 : i32
        %dma_wait3A_160 = arith.constant 0 : i32
        %dma_wait3A_161 = arith.constant 0 : i32
        %dma_wait3A_162 = tpu.memref_slice %arg6[%dma_wait3A_158, %dma_wait3A_160, %dma_wait3A_161] : memref<2x128x128xf32, #tpu.memory_space<vmem>> -> memref<1x128x128xf32, #tpu.memory_space<vmem>>
        %dma_wait3A_163 = tpu.memref_squeeze %dma_wait3A_162 : memref<1x128x128xf32, #tpu.memory_space<vmem>> -> memref<128x128xf32, #tpu.memory_space<vmem>>
        %dma_wait3A_164 = arith.constant 0 : i32
        %dma_wait3A_165 = tpu.memref_slice %arg4[%add3A_157, %dma_wait3A_164] : memref<278528x128xf32, #tpu.memory_space<hbm>> -> memref<128x128xf32, #tpu.memory_space<hbm>>
        %dma_wait3A_166 = tpu.memref_slice %arg8[%dma_wait3A_159] : memref<2x!tpu.dma_semaphore, #tpu.memory_space<semaphore_mem>> -> memref<1x!tpu.dma_semaphore, #tpu.memory_space<semaphore_mem>>
        %dma_wait3A_167 = tpu.memref_squeeze %dma_wait3A_166 : memref<1x!tpu.dma_semaphore, #tpu.memory_space<semaphore_mem>> -> memref<!tpu.dma_semaphore, #tpu.memory_space<semaphore_mem>>
        %dma_wait3A_168 = arith.constant 0 : i32
        %dma_wait3A_169 = tpu.memref_slice %arg4[%add3A_157, %dma_wait3A_168] : memref<278528x128xf32, #tpu.memory_space<hbm>> -> memref<128x128xf32, #tpu.memory_space<hbm>>
        %dma_wait3A_170 = arith.constant 0 : i32
        %dma_wait3A_171 = arith.constant 0 : i32
        %dma_wait3A_172 = tpu.memref_slice %arg6[%dma_wait3A_158, %dma_wait3A_170, %dma_wait3A_171] : memref<2x128x128xf32, #tpu.memory_space<vmem>> -> memref<1x128x128xf32, #tpu.memory_space<vmem>>
        %dma_wait3A_173 = tpu.memref_squeeze %dma_wait3A_172 : memref<1x128x128xf32, #tpu.memory_space<vmem>> -> memref<128x128xf32, #tpu.memory_space<vmem>>
        tpu.wait_dma2 semaphore(%dma_wait3A_167 : memref<!tpu.dma_semaphore, #tpu.memory_space<semaphore_mem>>) src(%dma_wait3A_173 : memref<128x128xf32, #tpu.memory_space<vmem>>) dst(%dma_wait3A_169 : memref<128x128xf32, #tpu.memory_space<hbm>>)
        %add3A_174 = arith.constant 2 : i32
        %add3A_175 = arith.addi %add3A_77, %add3A_174 : i32
        %mul3A_176 = arith.constant 128 : i32
        %mul3A_177 = arith.muli %add3A_175, %mul3A_176 : i32
        %dma_start3A_178 = arith.constant 0 : i32
        %dma_start3A_179 = arith.constant 0 : i32
        %dma_start3A_180 = arith.constant 0 : i32
        %dma_start3A_181 = arith.constant 0 : i32
        %dma_start3A_182 = tpu.memref_slice %arg6[%dma_start3A_178, %dma_start3A_180, %dma_start3A_181] : memref<2x128x128xf32, #tpu.memory_space<vmem>> -> memref<1x128x128xf32, #tpu.memory_space<vmem>>
        %dma_start3A_183 = tpu.memref_squeeze %dma_start3A_182 : memref<1x128x128xf32, #tpu.memory_space<vmem>> -> memref<128x128xf32, #tpu.memory_space<vmem>>
        %dma_start3A_184 = tpu.memref_slice %arg5[%mul3A_177] : memref<8704xi32, #tpu.memory_space<vmem>> -> memref<128xi32, #tpu.memory_space<vmem>>
        %dma_start3A_185 = arith.constant 0 : i32
        %dma_start3A_186 = arith.constant 0 : i32
        %dma_start3A_187 = tpu.memref_slice %arg2[%dma_start3A_185, %dma_start3A_186] : memref<10240x128xf32, #tpu.memory_space<hbm>> -> memref<10240x128xf32, #tpu.memory_space<hbm>>
        %dma_start3A_188 = tpu.memref_slice %arg7[%dma_start3A_179] : memref<2x!tpu.dma_semaphore, #tpu.memory_space<semaphore_mem>> -> memref<1x!tpu.dma_semaphore, #tpu.memory_space<semaphore_mem>>
        %dma_start3A_189 = tpu.memref_squeeze %dma_start3A_188 : memref<1x!tpu.dma_semaphore, #tpu.memory_space<semaphore_mem>> -> memref<!tpu.dma_semaphore, #tpu.memory_space<semaphore_mem>>
        tpu.enqueue_indirect_dma source(%dma_start3A_187 : memref<10240x128xf32, #tpu.memory_space<hbm>>) target(%dma_start3A_183 : memref<128x128xf32, #tpu.memory_space<vmem>>) offsets(%dma_start3A_184 : memref<128xi32, #tpu.memory_space<vmem>>) semaphore(%dma_start3A_189 : memref<!tpu.dma_semaphore, #tpu.memory_space<semaphore_mem>>)
      } else {
      }
      %add3A_114 = arith.constant 1 : i32
      %add3A_115 = arith.addi %add3A_75, %add3A_114 : i32
      %dma_wait3A_116 = arith.constant 1 : i32
      %dma_wait3A_117 = arith.constant 1 : i32
      %dma_wait3A_118 = arith.constant 0 : i32
      %dma_wait3A_119 = arith.constant 0 : i32
      %dma_wait3A_120 = tpu.memref_slice %arg6[%dma_wait3A_116, %dma_wait3A_118, %dma_wait3A_119] : memref<2x128x128xf32, #tpu.memory_space<vmem>> -> memref<1x128x128xf32, #tpu.memory_space<vmem>>
      %dma_wait3A_121 = tpu.memref_squeeze %dma_wait3A_120 : memref<1x128x128xf32, #tpu.memory_space<vmem>> -> memref<128x128xf32, #tpu.memory_space<vmem>>
      %dma_wait3A_122 = arith.constant 0 : i32
      %dma_wait3A_123 = tpu.memref_slice %arg5[%dma_wait3A_122] : memref<8704xi32, #tpu.memory_space<vmem>> -> memref<128xi32, #tpu.memory_space<vmem>>
      %dma_wait3A_124 = arith.constant 0 : i32
      %dma_wait3A_125 = arith.constant 0 : i32
      %dma_wait3A_126 = tpu.memref_slice %arg2[%dma_wait3A_124, %dma_wait3A_125] : memref<10240x128xf32, #tpu.memory_space<hbm>> -> memref<10240x128xf32, #tpu.memory_space<hbm>>
      %dma_wait3A_127 = tpu.memref_slice %arg7[%dma_wait3A_117] : memref<2x!tpu.dma_semaphore, #tpu.memory_space<semaphore_mem>> -> memref<1x!tpu.dma_semaphore, #tpu.memory_space<semaphore_mem>>
      %dma_wait3A_128 = tpu.memref_squeeze %dma_wait3A_127 : memref<1x!tpu.dma_semaphore, #tpu.memory_space<semaphore_mem>> -> memref<!tpu.dma_semaphore, #tpu.memory_space<semaphore_mem>>
      tpu.wait_indirect_dma semaphore(%dma_wait3A_128 : memref<!tpu.dma_semaphore, #tpu.memory_space<semaphore_mem>>) src(%dma_wait3A_126 : memref<10240x128xf32, #tpu.memory_space<hbm>>) dst(%dma_wait3A_121 : memref<128x128xf32, #tpu.memory_space<vmem>>)
      %mul3A_129 = arith.constant 128 : i32
      %mul3A_130 = arith.muli %add3A_115, %mul3A_129 : i32
      %add3A_131 = arith.addi %mul3A_2, %mul3A_130 : i32
      %dma_start3A_132 = arith.constant 1 : i32
      %dma_start3A_133 = arith.constant 1 : i32
      %dma_start3A_134 = arith.constant 0 : i32
      %dma_start3A_135 = arith.constant 0 : i32
      %dma_start3A_136 = tpu.memref_slice %arg6[%dma_start3A_132, %dma_start3A_134, %dma_start3A_135] : memref<2x128x128xf32, #tpu.memory_space<vmem>> -> memref<1x128x128xf32, #tpu.memory_space<vmem>>
      %dma_start3A_137 = tpu.memref_squeeze %dma_start3A_136 : memref<1x128x128xf32, #tpu.memory_space<vmem>> -> memref<128x128xf32, #tpu.memory_space<vmem>>
      %dma_start3A_138 = arith.constant 0 : i32
      %dma_start3A_139 = tpu.memref_slice %arg4[%add3A_131, %dma_start3A_138] : memref<278528x128xf32, #tpu.memory_space<hbm>> -> memref<128x128xf32, #tpu.memory_space<hbm>>
      %dma_start3A_140 = tpu.memref_slice %arg8[%dma_start3A_133] : memref<2x!tpu.dma_semaphore, #tpu.memory_space<semaphore_mem>> -> memref<1x!tpu.dma_semaphore, #tpu.memory_space<semaphore_mem>>
      %dma_start3A_141 = tpu.memref_squeeze %dma_start3A_140 : memref<1x!tpu.dma_semaphore, #tpu.memory_space<semaphore_mem>> -> memref<!tpu.dma_semaphore, #tpu.memory_space<semaphore_mem>>
      %dma_start3A_142 = arith.constant 0 : i32
      %dma_start3A_143 = tpu.memref_slice %arg4[%add3A_131, %dma_start3A_142] : memref<278528x128xf32, #tpu.memory_space<hbm>> -> memref<128x128xf32, #tpu.memory_space<hbm>>
      %dma_start3A_144 = arith.constant 0 : i32
      %dma_start3A_145 = arith.constant 0 : i32
      %dma_start3A_146 = tpu.memref_slice %arg6[%dma_start3A_132, %dma_start3A_144, %dma_start3A_145] : memref<2x128x128xf32, #tpu.memory_space<vmem>> -> memref<1x128x128xf32, #tpu.memory_space<vmem>>
      %dma_start3A_147 = tpu.memref_squeeze %dma_start3A_146 : memref<1x128x128xf32, #tpu.memory_space<vmem>> -> memref<128x128xf32, #tpu.memory_space<vmem>>
      tpu.enqueue_dma source(%dma_start3A_147 : memref<128x128xf32, #tpu.memory_space<vmem>>) target(%dma_start3A_143 : memref<128x128xf32, #tpu.memory_space<hbm>>) target_semaphore(%dma_start3A_141 : memref<!tpu.dma_semaphore, #tpu.memory_space<semaphore_mem>>)
      %add3A_148 = arith.constant 2 : i32
      %add3A_149 = arith.addi %add3A_115, %add3A_148 : i32
      %lt3A_150 = arith.constant 68 : i32
      %lt3A_151 = arith.cmpi slt, %add3A_149, %lt3A_150 : i32
      %convert_element_type3A_152 = arith.extui %lt3A_151 : i1 to i32
      %cond3A_153 = arith.constant 0 : i32
      %cond3A_154 = arith.cmpi ne, %convert_element_type3A_152, %cond3A_153 : i32
      scf.if %cond3A_154 {
        %mul3A_155 = arith.constant 128 : i32
        %mul3A_156 = arith.muli %add3A_115, %mul3A_155 : i32
        %add3A_157 = arith.addi %mul3A_2, %mul3A_156 : i32
        %dma_wait3A_158 = arith.constant 1 : i32
        %dma_wait3A_159 = arith.constant 1 : i32
        %dma_wait3A_160 = arith.constant 0 : i32
        %dma_wait3A_161 = arith.constant 0 : i32
        %dma_wait3A_162 = tpu.memref_slice %arg6[%dma_wait3A_158, %dma_wait3A_160, %dma_wait3A_161] : memref<2x128x128xf32, #tpu.memory_space<vmem>> -> memref<1x128x128xf32, #tpu.memory_space<vmem>>
        %dma_wait3A_163 = tpu.memref_squeeze %dma_wait3A_162 : memref<1x128x128xf32, #tpu.memory_space<vmem>> -> memref<128x128xf32, #tpu.memory_space<vmem>>
        %dma_wait3A_164 = arith.constant 0 : i32
        %dma_wait3A_165 = tpu.memref_slice %arg4[%add3A_157, %dma_wait3A_164] : memref<278528x128xf32, #tpu.memory_space<hbm>> -> memref<128x128xf32, #tpu.memory_space<hbm>>
        %dma_wait3A_166 = tpu.memref_slice %arg8[%dma_wait3A_159] : memref<2x!tpu.dma_semaphore, #tpu.memory_space<semaphore_mem>> -> memref<1x!tpu.dma_semaphore, #tpu.memory_space<semaphore_mem>>
        %dma_wait3A_167 = tpu.memref_squeeze %dma_wait3A_166 : memref<1x!tpu.dma_semaphore, #tpu.memory_space<semaphore_mem>> -> memref<!tpu.dma_semaphore, #tpu.memory_space<semaphore_mem>>
        %dma_wait3A_168 = arith.constant 0 : i32
        %dma_wait3A_169 = tpu.memref_slice %arg4[%add3A_157, %dma_wait3A_168] : memref<278528x128xf32, #tpu.memory_space<hbm>> -> memref<128x128xf32, #tpu.memory_space<hbm>>
        %dma_wait3A_170 = arith.constant 0 : i32
        %dma_wait3A_171 = arith.constant 0 : i32
        %dma_wait3A_172 = tpu.memref_slice %arg6[%dma_wait3A_158, %dma_wait3A_170, %dma_wait3A_171] : memref<2x128x128xf32, #tpu.memory_space<vmem>> -> memref<1x128x128xf32, #tpu.memory_space<vmem>>
        %dma_wait3A_173 = tpu.memref_squeeze %dma_wait3A_172 : memref<1x128x128xf32, #tpu.memory_space<vmem>> -> memref<128x128xf32, #tpu.memory_space<vmem>>
        tpu.wait_dma2 semaphore(%dma_wait3A_167 : memref<!tpu.dma_semaphore, #tpu.memory_space<semaphore_mem>>) src(%dma_wait3A_173 : memref<128x128xf32, #tpu.memory_space<vmem>>) dst(%dma_wait3A_169 : memref<128x128xf32, #tpu.memory_space<hbm>>)
        %add3A_174 = arith.constant 2 : i32
        %add3A_175 = arith.addi %add3A_115, %add3A_174 : i32
        %mul3A_176 = arith.constant 128 : i32
        %mul3A_177 = arith.muli %add3A_175, %mul3A_176 : i32
        %dma_start3A_178 = arith.constant 1 : i32
        %dma_start3A_179 = arith.constant 1 : i32
        %dma_start3A_180 = arith.constant 0 : i32
        %dma_start3A_181 = arith.constant 0 : i32
        %dma_start3A_182 = tpu.memref_slice %arg6[%dma_start3A_178, %dma_start3A_180, %dma_start3A_181] : memref<2x128x128xf32, #tpu.memory_space<vmem>> -> memref<1x128x128xf32, #tpu.memory_space<vmem>>
        %dma_start3A_183 = tpu.memref_squeeze %dma_start3A_182 : memref<1x128x128xf32, #tpu.memory_space<vmem>> -> memref<128x128xf32, #tpu.memory_space<vmem>>
        %dma_start3A_184 = tpu.memref_slice %arg5[%mul3A_177] : memref<8704xi32, #tpu.memory_space<vmem>> -> memref<128xi32, #tpu.memory_space<vmem>>
        %dma_start3A_185 = arith.constant 0 : i32
        %dma_start3A_186 = arith.constant 0 : i32
        %dma_start3A_187 = tpu.memref_slice %arg2[%dma_start3A_185, %dma_start3A_186] : memref<10240x128xf32, #tpu.memory_space<hbm>> -> memref<10240x128xf32, #tpu.memory_space<hbm>>
        %dma_start3A_188 = tpu.memref_slice %arg7[%dma_start3A_179] : memref<2x!tpu.dma_semaphore, #tpu.memory_space<semaphore_mem>> -> memref<1x!tpu.dma_semaphore, #tpu.memory_space<semaphore_mem>>
        %dma_start3A_189 = tpu.memref_squeeze %dma_start3A_188 : memref<1x!tpu.dma_semaphore, #tpu.memory_space<semaphore_mem>> -> memref<!tpu.dma_semaphore, #tpu.memory_space<semaphore_mem>>
        tpu.enqueue_indirect_dma source(%dma_start3A_187 : memref<10240x128xf32, #tpu.memory_space<hbm>>) target(%dma_start3A_183 : memref<128x128xf32, #tpu.memory_space<vmem>>) offsets(%dma_start3A_184 : memref<128xi32, #tpu.memory_space<vmem>>) semaphore(%dma_start3A_189 : memref<!tpu.dma_semaphore, #tpu.memory_space<semaphore_mem>>)
      } else {
      }
    }
    %scan3A_34 = arith.constant 34 : i32
    %add3A_35 = arith.constant 8448 : i32
    %add3A_36 = arith.addi %mul3A_2, %add3A_35 : i32
    %dma_wait3A_37 = arith.constant 0 : i32
    %dma_wait3A_38 = arith.constant 0 : i32
    %dma_wait3A_39 = arith.constant 0 : i32
    %dma_wait3A_40 = arith.constant 0 : i32
    %dma_wait3A_41 = tpu.memref_slice %arg6[%dma_wait3A_37, %dma_wait3A_39, %dma_wait3A_40] : memref<2x128x128xf32, #tpu.memory_space<vmem>> -> memref<1x128x128xf32, #tpu.memory_space<vmem>>
    %dma_wait3A_42 = tpu.memref_squeeze %dma_wait3A_41 : memref<1x128x128xf32, #tpu.memory_space<vmem>> -> memref<128x128xf32, #tpu.memory_space<vmem>>
    %dma_wait3A_43 = arith.constant 0 : i32
    %dma_wait3A_44 = tpu.memref_slice %arg4[%add3A_36, %dma_wait3A_43] : memref<278528x128xf32, #tpu.memory_space<hbm>> -> memref<128x128xf32, #tpu.memory_space<hbm>>
    %dma_wait3A_45 = tpu.memref_slice %arg8[%dma_wait3A_38] : memref<2x!tpu.dma_semaphore, #tpu.memory_space<semaphore_mem>> -> memref<1x!tpu.dma_semaphore, #tpu.memory_space<semaphore_mem>>
    %dma_wait3A_46 = tpu.memref_squeeze %dma_wait3A_45 : memref<1x!tpu.dma_semaphore, #tpu.memory_space<semaphore_mem>> -> memref<!tpu.dma_semaphore, #tpu.memory_space<semaphore_mem>>
    %dma_wait3A_47 = arith.constant 0 : i32
    %dma_wait3A_48 = tpu.memref_slice %arg4[%add3A_36, %dma_wait3A_47] : memref<278528x128xf32, #tpu.memory_space<hbm>> -> memref<128x128xf32, #tpu.memory_space<hbm>>
    %dma_wait3A_49 = arith.constant 0 : i32
    %dma_wait3A_50 = arith.constant 0 : i32
    %dma_wait3A_51 = tpu.memref_slice %arg6[%dma_wait3A_37, %dma_wait3A_49, %dma_wait3A_50] : memref<2x128x128xf32, #tpu.memory_space<vmem>> -> memref<1x128x128xf32, #tpu.memory_space<vmem>>
    %dma_wait3A_52 = tpu.memref_squeeze %dma_wait3A_51 : memref<1x128x128xf32, #tpu.memory_space<vmem>> -> memref<128x128xf32, #tpu.memory_space<vmem>>
    tpu.wait_dma2 semaphore(%dma_wait3A_46 : memref<!tpu.dma_semaphore, #tpu.memory_space<semaphore_mem>>) src(%dma_wait3A_52 : memref<128x128xf32, #tpu.memory_space<vmem>>) dst(%dma_wait3A_48 : memref<128x128xf32, #tpu.memory_space<hbm>>)
    %add3A_53 = arith.constant 8576 : i32
    %add3A_54 = arith.addi %mul3A_2, %add3A_53 : i32
    %dma_wait3A_55 = arith.constant 1 : i32
    %dma_wait3A_56 = arith.constant 1 : i32
    %dma_wait3A_57 = arith.constant 0 : i32
    %dma_wait3A_58 = arith.constant 0 : i32
    %dma_wait3A_59 = tpu.memref_slice %arg6[%dma_wait3A_55, %dma_wait3A_57, %dma_wait3A_58] : memref<2x128x128xf32, #tpu.memory_space<vmem>> -> memref<1x128x128xf32, #tpu.memory_space<vmem>>
    %dma_wait3A_60 = tpu.memref_squeeze %dma_wait3A_59 : memref<1x128x128xf32, #tpu.memory_space<vmem>> -> memref<128x128xf32, #tpu.memory_space<vmem>>
    %dma_wait3A_61 = arith.constant 0 : i32
    %dma_wait3A_62 = tpu.memref_slice %arg4[%add3A_54, %dma_wait3A_61] : memref<278528x128xf32, #tpu.memory_space<hbm>> -> memref<128x128xf32, #tpu.memory_space<hbm>>
    %dma_wait3A_63 = tpu.memref_slice %arg8[%dma_wait3A_56] : memref<2x!tpu.dma_semaphore, #tpu.memory_space<semaphore_mem>> -> memref<1x!tpu.dma_semaphore, #tpu.memory_space<semaphore_mem>>
    %dma_wait3A_64 = tpu.memref_squeeze %dma_wait3A_63 : memref<1x!tpu.dma_semaphore, #tpu.memory_space<semaphore_mem>> -> memref<!tpu.dma_semaphore, #tpu.memory_space<semaphore_mem>>
    %dma_wait3A_65 = arith.constant 0 : i32
    %dma_wait3A_66 = tpu.memref_slice %arg4[%add3A_54, %dma_wait3A_65] : memref<278528x128xf32, #tpu.memory_space<hbm>> -> memref<128x128xf32, #tpu.memory_space<hbm>>
    %dma_wait3A_67 = arith.constant 0 : i32
    %dma_wait3A_68 = arith.constant 0 : i32
    %dma_wait3A_69 = tpu.memref_slice %arg6[%dma_wait3A_55, %dma_wait3A_67, %dma_wait3A_68] : memref<2x128x128xf32, #tpu.memory_space<vmem>> -> memref<1x128x128xf32, #tpu.memory_space<vmem>>
    %dma_wait3A_70 = tpu.memref_squeeze %dma_wait3A_69 : memref<1x128x128xf32, #tpu.memory_space<vmem>> -> memref<128x128xf32, #tpu.memory_space<vmem>>
    tpu.wait_dma2 semaphore(%dma_wait3A_64 : memref<!tpu.dma_semaphore, #tpu.memory_space<semaphore_mem>>) src(%dma_wait3A_70 : memref<128x128xf32, #tpu.memory_space<vmem>>) dst(%dma_wait3A_66 : memref<128x128xf32, #tpu.memory_space<hbm>>)
    return
  }
}

#map = affine_map<(d0, d1) -> (0, 0)>
#map1 = affine_map<(d0, d1) -> (0)>
module attributes {stable_mosaic.version = 14 : i64} {
  func.func @kern(%arg0: i32, %arg1: i32, %arg2: memref<10240x128xf32, #tpu.memory_space<hbm>>, %arg3: memref<278528xi32, #tpu.memory_space<hbm>>, %arg4: memref<278528x128xf32, #tpu.memory_space<hbm>>, %arg5: memref<8704xi32, #tpu.memory_space<vmem>>, %arg6: memref<2x128x128xf32, #tpu.memory_space<vmem>>, %arg7: memref<2x!tpu.dma_semaphore, #tpu.memory_space<semaphore_mem>>, %arg8: memref<2x!tpu.dma_semaphore, #tpu.memory_space<semaphore_mem>>, %arg9: memref<!tpu.dma_semaphore, #tpu.memory_space<semaphore_mem>>) attributes {dimension_semantics = [#tpu.dimension_semantics<core_parallel>, #tpu.dimension_semantics<subcore_parallel>], iteration_bounds = array<i64: 2, 16>, scalar_prefetch = 0 : i64, scratch_operands = 5 : i64, tpu.core_type = #tpu.core_type<sc_vector_subcore>, window_params = [{transform_indices = #map}, {transform_indices = #map1}, {transform_indices = #map}]} {
    %mul3A = arith.constant 2 : i32
    %mul3A_0 = arith.muli %arg1, %mul3A : i32
    %add3A = arith.addi %mul3A_0, %arg0 : i32
    %mul3A_1 = arith.constant 8704 : i32
    %mul3A_2 = arith.muli %add3A, %mul3A_1 : i32
    %dma_start3A = tpu.memref_slice %arg3[%mul3A_2] : memref<278528xi32, #tpu.memory_space<hbm>> -> memref<8704xi32, #tpu.memory_space<hbm>>
    %dma_start3A_3 = tpu.memref_slice %arg3[%mul3A_2] : memref<278528xi32, #tpu.memory_space<hbm>> -> memref<8704xi32, #tpu.memory_space<hbm>>
    tpu.enqueue_dma source(%dma_start3A_3 : memref<8704xi32, #tpu.memory_space<hbm>>) target(%arg5 : memref<8704xi32, #tpu.memory_space<vmem>>) target_semaphore(%arg9 : memref<!tpu.dma_semaphore, #tpu.memory_space<semaphore_mem>>)
    %dma_wait3A = tpu.memref_slice %arg3[%mul3A_2] : memref<278528xi32, #tpu.memory_space<hbm>> -> memref<8704xi32, #tpu.memory_space<hbm>>
    %dma_wait3A_4 = tpu.memref_slice %arg3[%mul3A_2] : memref<278528xi32, #tpu.memory_space<hbm>> -> memref<8704xi32, #tpu.memory_space<hbm>>
    tpu.wait_dma2 semaphore(%arg9 : memref<!tpu.dma_semaphore, #tpu.memory_space<semaphore_mem>>) src(%dma_wait3A_4 : memref<8704xi32, #tpu.memory_space<hbm>>) dst(%arg5 : memref<8704xi32, #tpu.memory_space<vmem>>)
    %dma_start3A_5 = arith.constant 0 : i32
    %dma_start3A_6 = arith.constant 0 : i32
    %dma_start3A_7 = arith.constant 0 : i32
    %dma_start3A_8 = arith.constant 0 : i32
    %dma_start3A_9 = tpu.memref_slice %arg6[%dma_start3A_5, %dma_start3A_7, %dma_start3A_8] : memref<2x128x128xf32, #tpu.memory_space<vmem>> -> memref<1x128x128xf32, #tpu.memory_space<vmem>>
    %dma_start3A_10 = tpu.memref_squeeze %dma_start3A_9 : memref<1x128x128xf32, #tpu.memory_space<vmem>> -> memref<128x128xf32, #tpu.memory_space<vmem>>
    %dma_start3A_11 = arith.constant 0 : i32
    %dma_start3A_12 = tpu.memref_slice %arg5[%dma_start3A_11] : memref<8704xi32, #tpu.memory_space<vmem>> -> memref<128xi32, #tpu.memory_space<vmem>>
    %dma_start3A_13 = arith.constant 0 : i32
    %dma_start3A_14 = arith.constant 0 : i32
    %dma_start3A_15 = tpu.memref_slice %arg2[%dma_start3A_13, %dma_start3A_14] : memref<10240x128xf32, #tpu.memory_space<hbm>> -> memref<10240x128xf32, #tpu.memory_space<hbm>>
    %dma_start3A_16 = tpu.memref_slice %arg7[%dma_start3A_6] : memref<2x!tpu.dma_semaphore, #tpu.memory_space<semaphore_mem>> -> memref<1x!tpu.dma_semaphore, #tpu.memory_space<semaphore_mem>>
    %dma_start3A_17 = tpu.memref_squeeze %dma_start3A_16 : memref<1x!tpu.dma_semaphore, #tpu.memory_space<semaphore_mem>> -> memref<!tpu.dma_semaphore, #tpu.memory_space<semaphore_mem>>
    tpu.enqueue_indirect_dma source(%dma_start3A_15 : memref<10240x128xf32, #tpu.memory_space<hbm>>) target(%dma_start3A_10 : memref<128x128xf32, #tpu.memory_space<vmem>>) offsets(%dma_start3A_12 : memref<128xi32, #tpu.memory_space<vmem>>) semaphore(%dma_start3A_17 : memref<!tpu.dma_semaphore, #tpu.memory_space<semaphore_mem>>)
    %dma_start3A_18 = arith.constant 1 : i32
    %dma_start3A_19 = arith.constant 1 : i32
    %dma_start3A_20 = arith.constant 0 : i32
    %dma_start3A_21 = arith.constant 0 : i32
    %dma_start3A_22 = tpu.memref_slice %arg6[%dma_start3A_18, %dma_start3A_20, %dma_start3A_21] : memref<2x128x128xf32, #tpu.memory_space<vmem>> -> memref<1x128x128xf32, #tpu.memory_space<vmem>>
    %dma_start3A_23 = tpu.memref_squeeze %dma_start3A_22 : memref<1x128x128xf32, #tpu.memory_space<vmem>> -> memref<128x128xf32, #tpu.memory_space<vmem>>
    %dma_start3A_24 = arith.constant 128 : i32
    %dma_start3A_25 = tpu.memref_slice %arg5[%dma_start3A_24] : memref<8704xi32, #tpu.memory_space<vmem>> -> memref<128xi32, #tpu.memory_space<vmem>>
    %dma_start3A_26 = arith.constant 0 : i32
    %dma_start3A_27 = arith.constant 0 : i32
    %dma_start3A_28 = tpu.memref_slice %arg2[%dma_start3A_26, %dma_start3A_27] : memref<10240x128xf32, #tpu.memory_space<hbm>> -> memref<10240x128xf32, #tpu.memory_space<hbm>>
    %dma_start3A_29 = tpu.memref_slice %arg7[%dma_start3A_19] : memref<2x!tpu.dma_semaphore, #tpu.memory_space<semaphore_mem>> -> memref<1x!tpu.dma_semaphore, #tpu.memory_space<semaphore_mem>>
    %dma_start3A_30 = tpu.memref_squeeze %dma_start3A_29 : memref<1x!tpu.dma_semaphore, #tpu.memory_space<semaphore_mem>> -> memref<!tpu.dma_semaphore, #tpu.memory_space<semaphore_mem>>
    tpu.enqueue_indirect_dma source(%dma_start3A_28 : memref<10240x128xf32, #tpu.memory_space<hbm>>) target(%dma_start3A_23 : memref<128x128xf32, #tpu.memory_space<vmem>>) offsets(%dma_start3A_25 : memref<128xi32, #tpu.memory_space<vmem>>) semaphore(%dma_start3A_30 : memref<!tpu.dma_semaphore, #tpu.memory_space<semaphore_mem>>)
    %scan3A = arith.constant 0 : i32
    %scan3A_31 = arith.constant 34 : i32
    %scan3A_32 = arith.addi %scan3A, %scan3A_31 : i32
    %scan3A_33 = arith.constant 1 : i32
    scf.for %scan3A_71 = %scan3A to %scan3A_32 step %scan3A_33  : i32 {
      %mul3A_72 = arith.constant 2 : i32
      %mul3A_73 = arith.muli %scan3A_71, %mul3A_72 : i32
      %add3A_74 = arith.constant 0 : i32
      %add3A_75 = arith.addi %add3A_74, %mul3A_73 : i32
      %add3A_76 = arith.constant 0 : i32
      %add3A_77 = arith.addi %add3A_75, %add3A_76 : i32
      %dma_wait3A_78 = arith.constant 0 : i32
      %dma_wait3A_79 = arith.constant 0 : i32
      %dma_wait3A_80 = arith.constant 0 : i32
      %dma_wait3A_81 = arith.constant 0 : i32
      %dma_wait3A_82 = tpu.memref_slice %arg6[%dma_wait3A_78, %dma_wait3A_80, %dma_wait3A_81] : memref<2x128x128xf32, #tpu.memory_space<vmem>> -> memref<1x128x128xf32, #tpu.memory_space<vmem>>
      %dma_wait3A_83 = tpu.memref_squeeze %dma_wait3A_82 : memref<1x128x128xf32, #tpu.memory_space<vmem>> -> memref<128x128xf32, #tpu.memory_space<vmem>>
      %dma_wait3A_84 = arith.constant 0 : i32
      %dma_wait3A_85 = tpu.memref_slice %arg5[%dma_wait3A_84] : memref<8704xi32, #tpu.memory_space<vmem>> -> memref<128xi32, #tpu.memory_space<vmem>>
      %dma_wait3A_86 = arith.constant 0 : i32
      %dma_wait3A_87 = arith.constant 0 : i32
      %dma_wait3A_88 = tpu.memref_slice %arg2[%dma_wait3A_86, %dma_wait3A_87] : memref<10240x128xf32, #tpu.memory_space<hbm>> -> memref<10240x128xf32, #tpu.memory_space<hbm>>
      %dma_wait3A_89 = tpu.memref_slice %arg7[%dma_wait3A_79] : memref<2x!tpu.dma_semaphore, #tpu.memory_space<semaphore_mem>> -> memref<1x!tpu.dma_semaphore, #tpu.memory_space<semaphore_mem>>
      %dma_wait3A_90 = tpu.memref_squeeze %dma_wait3A_89 : memref<1x!tpu.dma_semaphore, #tpu.memory_space<semaphore_mem>> -> memref<!tpu.dma_semaphore, #tpu.memory_space<semaphore_mem>>
      tpu.wait_indirect_dma semaphore(%dma_wait3A_90 : memref<!tpu.dma_semaphore, #tpu.memory_space<semaphore_mem>>) src(%dma_wait3A_88 : memref<10240x128xf32, #tpu.memory_space<hbm>>) dst(%dma_wait3A_83 : memref<128x128xf32, #tpu.memory_space<vmem>>)
      %mul3A_91 = arith.constant 128 : i32
      %mul3A_92 = arith.muli %add3A_77, %mul3A_91 : i32
      %add3A_93 = arith.addi %mul3A_2, %mul3A_92 : i32
      %dma_start3A_94 = arith.constant 0 : i32
      %dma_start3A_95 = arith.constant 0 : i32
      %dma_start3A_96 = arith.constant 0 : i32
      %dma_start3A_97 = arith.constant 0 : i32
      %dma_start3A_98 = tpu.memref_slice %arg6[%dma_start3A_94, %dma_start3A_96, %dma_start3A_97] : memref<2x128x128xf32, #tpu.memory_space<vmem>> -> memref<1x128x128xf32, #tpu.memory_space<vmem>>
      %dma_start3A_99 = tpu.memref_squeeze %dma_start3A_98 : memref<1x128x128xf32, #tpu.memory_space<vmem>> -> memref<128x128xf32, #tpu.memory_space<vmem>>
      %dma_start3A_100 = arith.constant 0 : i32
      %dma_start3A_101 = tpu.memref_slice %arg4[%add3A_93, %dma_start3A_100] : memref<278528x128xf32, #tpu.memory_space<hbm>> -> memref<128x128xf32, #tpu.memory_space<hbm>>
      %dma_start3A_102 = tpu.memref_slice %arg8[%dma_start3A_95] : memref<2x!tpu.dma_semaphore, #tpu.memory_space<semaphore_mem>> -> memref<1x!tpu.dma_semaphore, #tpu.memory_space<semaphore_mem>>
      %dma_start3A_103 = tpu.memref_squeeze %dma_start3A_102 : memref<1x!tpu.dma_semaphore, #tpu.memory_space<semaphore_mem>> -> memref<!tpu.dma_semaphore, #tpu.memory_space<semaphore_mem>>
      %dma_start3A_104 = arith.constant 0 : i32
      %dma_start3A_105 = tpu.memref_slice %arg4[%add3A_93, %dma_start3A_104] : memref<278528x128xf32, #tpu.memory_space<hbm>> -> memref<128x128xf32, #tpu.memory_space<hbm>>
      %dma_start3A_106 = arith.constant 0 : i32
      %dma_start3A_107 = arith.constant 0 : i32
      %dma_start3A_108 = tpu.memref_slice %arg6[%dma_start3A_94, %dma_start3A_106, %dma_start3A_107] : memref<2x128x128xf32, #tpu.memory_space<vmem>> -> memref<1x128x128xf32, #tpu.memory_space<vmem>>
      %dma_start3A_109 = tpu.memref_squeeze %dma_start3A_108 : memref<1x128x128xf32, #tpu.memory_space<vmem>> -> memref<128x128xf32, #tpu.memory_space<vmem>>
      tpu.enqueue_dma source(%dma_start3A_109 : memref<128x128xf32, #tpu.memory_space<vmem>>) target(%dma_start3A_105 : memref<128x128xf32, #tpu.memory_space<hbm>>) target_semaphore(%dma_start3A_103 : memref<!tpu.dma_semaphore, #tpu.memory_space<semaphore_mem>>)
      %add3A_110 = arith.constant 2 : i32
      %add3A_111 = arith.addi %add3A_77, %add3A_110 : i32
      %lt3A = arith.constant 68 : i32
      %lt3A_112 = arith.cmpi slt, %add3A_111, %lt3A : i32
      %convert_element_type3A = arith.extui %lt3A_112 : i1 to i32
      %cond3A = arith.constant 0 : i32
      %cond3A_113 = arith.cmpi ne, %convert_element_type3A, %cond3A : i32
      scf.if %cond3A_113 {
        %mul3A_155 = arith.constant 128 : i32
        %mul3A_156 = arith.muli %add3A_77, %mul3A_155 : i32
        %add3A_157 = arith.addi %mul3A_2, %mul3A_156 : i32
        %dma_wait3A_158 = arith.constant 0 : i32
        %dma_wait3A_159 = arith.constant 0 : i32
        %dma_wait3A_160 = arith.constant 0 : i32
        %dma_wait3A_161 = arith.constant 0 : i32
        %dma_wait3A_162 = tpu.memref_slice %arg6[%dma_wait3A_158, %dma_wait3A_160, %dma_wait3A_161] : memref<2x128x128xf32, #tpu.memory_space<vmem>> -> memref<1x128x128xf32, #tpu.memory_space<vmem>>
        %dma_wait3A_163 = tpu.memref_squeeze %dma_wait3A_162 : memref<1x128x128xf32, #tpu.memory_space<vmem>> -> memref<128x128xf32, #tpu.memory_space<vmem>>
        %dma_wait3A_164 = arith.constant 0 : i32
        %dma_wait3A_165 = tpu.memref_slice %arg4[%add3A_157, %dma_wait3A_164] : memref<278528x128xf32, #tpu.memory_space<hbm>> -> memref<128x128xf32, #tpu.memory_space<hbm>>
        %dma_wait3A_166 = tpu.memref_slice %arg8[%dma_wait3A_159] : memref<2x!tpu.dma_semaphore, #tpu.memory_space<semaphore_mem>> -> memref<1x!tpu.dma_semaphore, #tpu.memory_space<semaphore_mem>>
        %dma_wait3A_167 = tpu.memref_squeeze %dma_wait3A_166 : memref<1x!tpu.dma_semaphore, #tpu.memory_space<semaphore_mem>> -> memref<!tpu.dma_semaphore, #tpu.memory_space<semaphore_mem>>
        %dma_wait3A_168 = arith.constant 0 : i32
        %dma_wait3A_169 = tpu.memref_slice %arg4[%add3A_157, %dma_wait3A_168] : memref<278528x128xf32, #tpu.memory_space<hbm>> -> memref<128x128xf32, #tpu.memory_space<hbm>>
        %dma_wait3A_170 = arith.constant 0 : i32
        %dma_wait3A_171 = arith.constant 0 : i32
        %dma_wait3A_172 = tpu.memref_slice %arg6[%dma_wait3A_158, %dma_wait3A_170, %dma_wait3A_171] : memref<2x128x128xf32, #tpu.memory_space<vmem>> -> memref<1x128x128xf32, #tpu.memory_space<vmem>>
        %dma_wait3A_173 = tpu.memref_squeeze %dma_wait3A_172 : memref<1x128x128xf32, #tpu.memory_space<vmem>> -> memref<128x128xf32, #tpu.memory_space<vmem>>
        tpu.wait_dma2 semaphore(%dma_wait3A_167 : memref<!tpu.dma_semaphore, #tpu.memory_space<semaphore_mem>>) src(%dma_wait3A_173 : memref<128x128xf32, #tpu.memory_space<vmem>>) dst(%dma_wait3A_169 : memref<128x128xf32, #tpu.memory_space<hbm>>)
        %add3A_174 = arith.constant 2 : i32
        %add3A_175 = arith.addi %add3A_77, %add3A_174 : i32
        %mul3A_176 = arith.constant 128 : i32
        %mul3A_177 = arith.muli %add3A_175, %mul3A_176 : i32
        %dma_start3A_178 = arith.constant 0 : i32
        %dma_start3A_179 = arith.constant 0 : i32
        %dma_start3A_180 = arith.constant 0 : i32
        %dma_start3A_181 = arith.constant 0 : i32
        %dma_start3A_182 = tpu.memref_slice %arg6[%dma_start3A_178, %dma_start3A_180, %dma_start3A_181] : memref<2x128x128xf32, #tpu.memory_space<vmem>> -> memref<1x128x128xf32, #tpu.memory_space<vmem>>
        %dma_start3A_183 = tpu.memref_squeeze %dma_start3A_182 : memref<1x128x128xf32, #tpu.memory_space<vmem>> -> memref<128x128xf32, #tpu.memory_space<vmem>>
        %dma_start3A_184 = tpu.memref_slice %arg5[%mul3A_177] : memref<8704xi32, #tpu.memory_space<vmem>> -> memref<128xi32, #tpu.memory_space<vmem>>
        %dma_start3A_185 = arith.constant 0 : i32
        %dma_start3A_186 = arith.constant 0 : i32
        %dma_start3A_187 = tpu.memref_slice %arg2[%dma_start3A_185, %dma_start3A_186] : memref<10240x128xf32, #tpu.memory_space<hbm>> -> memref<10240x128xf32, #tpu.memory_space<hbm>>
        %dma_start3A_188 = tpu.memref_slice %arg7[%dma_start3A_179] : memref<2x!tpu.dma_semaphore, #tpu.memory_space<semaphore_mem>> -> memref<1x!tpu.dma_semaphore, #tpu.memory_space<semaphore_mem>>
        %dma_start3A_189 = tpu.memref_squeeze %dma_start3A_188 : memref<1x!tpu.dma_semaphore, #tpu.memory_space<semaphore_mem>> -> memref<!tpu.dma_semaphore, #tpu.memory_space<semaphore_mem>>
        tpu.enqueue_indirect_dma source(%dma_start3A_187 : memref<10240x128xf32, #tpu.memory_space<hbm>>) target(%dma_start3A_183 : memref<128x128xf32, #tpu.memory_space<vmem>>) offsets(%dma_start3A_184 : memref<128xi32, #tpu.memory_space<vmem>>) semaphore(%dma_start3A_189 : memref<!tpu.dma_semaphore, #tpu.memory_space<semaphore_mem>>)
      } else {
      }
      %add3A_114 = arith.constant 1 : i32
      %add3A_115 = arith.addi %add3A_75, %add3A_114 : i32
      %dma_wait3A_116 = arith.constant 1 : i32
      %dma_wait3A_117 = arith.constant 1 : i32
      %dma_wait3A_118 = arith.constant 0 : i32
      %dma_wait3A_119 = arith.constant 0 : i32
      %dma_wait3A_120 = tpu.memref_slice %arg6[%dma_wait3A_116, %dma_wait3A_118, %dma_wait3A_119] : memref<2x128x128xf32, #tpu.memory_space<vmem>> -> memref<1x128x128xf32, #tpu.memory_space<vmem>>
      %dma_wait3A_121 = tpu.memref_squeeze %dma_wait3A_120 : memref<1x128x128xf32, #tpu.memory_space<vmem>> -> memref<128x128xf32, #tpu.memory_space<vmem>>
      %dma_wait3A_122 = arith.constant 0 : i32
      %dma_wait3A_123 = tpu.memref_slice %arg5[%dma_wait3A_122] : memref<8704xi32, #tpu.memory_space<vmem>> -> memref<128xi32, #tpu.memory_space<vmem>>
      %dma_wait3A_124 = arith.constant 0 : i32
      %dma_wait3A_125 = arith.constant 0 : i32
      %dma_wait3A_126 = tpu.memref_slice %arg2[%dma_wait3A_124, %dma_wait3A_125] : memref<10240x128xf32, #tpu.memory_space<hbm>> -> memref<10240x128xf32, #tpu.memory_space<hbm>>
      %dma_wait3A_127 = tpu.memref_slice %arg7[%dma_wait3A_117] : memref<2x!tpu.dma_semaphore, #tpu.memory_space<semaphore_mem>> -> memref<1x!tpu.dma_semaphore, #tpu.memory_space<semaphore_mem>>
      %dma_wait3A_128 = tpu.memref_squeeze %dma_wait3A_127 : memref<1x!tpu.dma_semaphore, #tpu.memory_space<semaphore_mem>> -> memref<!tpu.dma_semaphore, #tpu.memory_space<semaphore_mem>>
      tpu.wait_indirect_dma semaphore(%dma_wait3A_128 : memref<!tpu.dma_semaphore, #tpu.memory_space<semaphore_mem>>) src(%dma_wait3A_126 : memref<10240x128xf32, #tpu.memory_space<hbm>>) dst(%dma_wait3A_121 : memref<128x128xf32, #tpu.memory_space<vmem>>)
      %mul3A_129 = arith.constant 128 : i32
      %mul3A_130 = arith.muli %add3A_115, %mul3A_129 : i32
      %add3A_131 = arith.addi %mul3A_2, %mul3A_130 : i32
      %dma_start3A_132 = arith.constant 1 : i32
      %dma_start3A_133 = arith.constant 1 : i32
      %dma_start3A_134 = arith.constant 0 : i32
      %dma_start3A_135 = arith.constant 0 : i32
      %dma_start3A_136 = tpu.memref_slice %arg6[%dma_start3A_132, %dma_start3A_134, %dma_start3A_135] : memref<2x128x128xf32, #tpu.memory_space<vmem>> -> memref<1x128x128xf32, #tpu.memory_space<vmem>>
      %dma_start3A_137 = tpu.memref_squeeze %dma_start3A_136 : memref<1x128x128xf32, #tpu.memory_space<vmem>> -> memref<128x128xf32, #tpu.memory_space<vmem>>
      %dma_start3A_138 = arith.constant 0 : i32
      %dma_start3A_139 = tpu.memref_slice %arg4[%add3A_131, %dma_start3A_138] : memref<278528x128xf32, #tpu.memory_space<hbm>> -> memref<128x128xf32, #tpu.memory_space<hbm>>
      %dma_start3A_140 = tpu.memref_slice %arg8[%dma_start3A_133] : memref<2x!tpu.dma_semaphore, #tpu.memory_space<semaphore_mem>> -> memref<1x!tpu.dma_semaphore, #tpu.memory_space<semaphore_mem>>
      %dma_start3A_141 = tpu.memref_squeeze %dma_start3A_140 : memref<1x!tpu.dma_semaphore, #tpu.memory_space<semaphore_mem>> -> memref<!tpu.dma_semaphore, #tpu.memory_space<semaphore_mem>>
      %dma_start3A_142 = arith.constant 0 : i32
      %dma_start3A_143 = tpu.memref_slice %arg4[%add3A_131, %dma_start3A_142] : memref<278528x128xf32, #tpu.memory_space<hbm>> -> memref<128x128xf32, #tpu.memory_space<hbm>>
      %dma_start3A_144 = arith.constant 0 : i32
      %dma_start3A_145 = arith.constant 0 : i32
      %dma_start3A_146 = tpu.memref_slice %arg6[%dma_start3A_132, %dma_start3A_144, %dma_start3A_145] : memref<2x128x128xf32, #tpu.memory_space<vmem>> -> memref<1x128x128xf32, #tpu.memory_space<vmem>>
      %dma_start3A_147 = tpu.memref_squeeze %dma_start3A_146 : memref<1x128x128xf32, #tpu.memory_space<vmem>> -> memref<128x128xf32, #tpu.memory_space<vmem>>
      tpu.enqueue_dma source(%dma_start3A_147 : memref<128x128xf32, #tpu.memory_space<vmem>>) target(%dma_start3A_143 : memref<128x128xf32, #tpu.memory_space<hbm>>) target_semaphore(%dma_start3A_141 : memref<!tpu.dma_semaphore, #tpu.memory_space<semaphore_mem>>)
      %add3A_148 = arith.constant 2 : i32
      %add3A_149 = arith.addi %add3A_115, %add3A_148 : i32
      %lt3A_150 = arith.constant 68 : i32
      %lt3A_151 = arith.cmpi slt, %add3A_149, %lt3A_150 : i32
      %convert_element_type3A_152 = arith.extui %lt3A_151 : i1 to i32
      %cond3A_153 = arith.constant 0 : i32
      %cond3A_154 = arith.cmpi ne, %convert_element_type3A_152, %cond3A_153 : i32
      scf.if %cond3A_154 {
        %mul3A_155 = arith.constant 128 : i32
        %mul3A_156 = arith.muli %add3A_115, %mul3A_155 : i32
        %add3A_157 = arith.addi %mul3A_2, %mul3A_156 : i32
        %dma_wait3A_158 = arith.constant 1 : i32
        %dma_wait3A_159 = arith.constant 1 : i32
        %dma_wait3A_160 = arith.constant 0 : i32
        %dma_wait3A_161 = arith.constant 0 : i32
        %dma_wait3A_162 = tpu.memref_slice %arg6[%dma_wait3A_158, %dma_wait3A_160, %dma_wait3A_161] : memref<2x128x128xf32, #tpu.memory_space<vmem>> -> memref<1x128x128xf32, #tpu.memory_space<vmem>>
        %dma_wait3A_163 = tpu.memref_squeeze %dma_wait3A_162 : memref<1x128x128xf32, #tpu.memory_space<vmem>> -> memref<128x128xf32, #tpu.memory_space<vmem>>
        %dma_wait3A_164 = arith.constant 0 : i32
        %dma_wait3A_165 = tpu.memref_slice %arg4[%add3A_157, %dma_wait3A_164] : memref<278528x128xf32, #tpu.memory_space<hbm>> -> memref<128x128xf32, #tpu.memory_space<hbm>>
        %dma_wait3A_166 = tpu.memref_slice %arg8[%dma_wait3A_159] : memref<2x!tpu.dma_semaphore, #tpu.memory_space<semaphore_mem>> -> memref<1x!tpu.dma_semaphore, #tpu.memory_space<semaphore_mem>>
        %dma_wait3A_167 = tpu.memref_squeeze %dma_wait3A_166 : memref<1x!tpu.dma_semaphore, #tpu.memory_space<semaphore_mem>> -> memref<!tpu.dma_semaphore, #tpu.memory_space<semaphore_mem>>
        %dma_wait3A_168 = arith.constant 0 : i32
        %dma_wait3A_169 = tpu.memref_slice %arg4[%add3A_157, %dma_wait3A_168] : memref<278528x128xf32, #tpu.memory_space<hbm>> -> memref<128x128xf32, #tpu.memory_space<hbm>>
        %dma_wait3A_170 = arith.constant 0 : i32
        %dma_wait3A_171 = arith.constant 0 : i32
        %dma_wait3A_172 = tpu.memref_slice %arg6[%dma_wait3A_158, %dma_wait3A_170, %dma_wait3A_171] : memref<2x128x128xf32, #tpu.memory_space<vmem>> -> memref<1x128x128xf32, #tpu.memory_space<vmem>>
        %dma_wait3A_173 = tpu.memref_squeeze %dma_wait3A_172 : memref<1x128x128xf32, #tpu.memory_space<vmem>> -> memref<128x128xf32, #tpu.memory_space<vmem>>
        tpu.wait_dma2 semaphore(%dma_wait3A_167 : memref<!tpu.dma_semaphore, #tpu.memory_space<semaphore_mem>>) src(%dma_wait3A_173 : memref<128x128xf32, #tpu.memory_space<vmem>>) dst(%dma_wait3A_169 : memref<128x128xf32, #tpu.memory_space<hbm>>)
        %add3A_174 = arith.constant 2 : i32
        %add3A_175 = arith.addi %add3A_115, %add3A_174 : i32
        %mul3A_176 = arith.constant 128 : i32
        %mul3A_177 = arith.muli %add3A_175, %mul3A_176 : i32
        %dma_start3A_178 = arith.constant 1 : i32
        %dma_start3A_179 = arith.constant 1 : i32
        %dma_start3A_180 = arith.constant 0 : i32
        %dma_start3A_181 = arith.constant 0 : i32
        %dma_start3A_182 = tpu.memref_slice %arg6[%dma_start3A_178, %dma_start3A_180, %dma_start3A_181] : memref<2x128x128xf32, #tpu.memory_space<vmem>> -> memref<1x128x128xf32, #tpu.memory_space<vmem>>
        %dma_start3A_183 = tpu.memref_squeeze %dma_start3A_182 : memref<1x128x128xf32, #tpu.memory_space<vmem>> -> memref<128x128xf32, #tpu.memory_space<vmem>>
        %dma_start3A_184 = tpu.memref_slice %arg5[%mul3A_177] : memref<8704xi32, #tpu.memory_space<vmem>> -> memref<128xi32, #tpu.memory_space<vmem>>
        %dma_start3A_185 = arith.constant 0 : i32
        %dma_start3A_186 = arith.constant 0 : i32
        %dma_start3A_187 = tpu.memref_slice %arg2[%dma_start3A_185, %dma_start3A_186] : memref<10240x128xf32, #tpu.memory_space<hbm>> -> memref<10240x128xf32, #tpu.memory_space<hbm>>
        %dma_start3A_188 = tpu.memref_slice %arg7[%dma_start3A_179] : memref<2x!tpu.dma_semaphore, #tpu.memory_space<semaphore_mem>> -> memref<1x!tpu.dma_semaphore, #tpu.memory_space<semaphore_mem>>
        %dma_start3A_189 = tpu.memref_squeeze %dma_start3A_188 : memref<1x!tpu.dma_semaphore, #tpu.memory_space<semaphore_mem>> -> memref<!tpu.dma_semaphore, #tpu.memory_space<semaphore_mem>>
        tpu.enqueue_indirect_dma source(%dma_start3A_187 : memref<10240x128xf32, #tpu.memory_space<hbm>>) target(%dma_start3A_183 : memref<128x128xf32, #tpu.memory_space<vmem>>) offsets(%dma_start3A_184 : memref<128xi32, #tpu.memory_space<vmem>>) semaphore(%dma_start3A_189 : memref<!tpu.dma_semaphore, #tpu.memory_space<semaphore_mem>>)
      } else {
      }
    }
    %scan3A_34 = arith.constant 34 : i32
    %add3A_35 = arith.constant 8448 : i32
    %add3A_36 = arith.addi %mul3A_2, %add3A_35 : i32
    %dma_wait3A_37 = arith.constant 0 : i32
    %dma_wait3A_38 = arith.constant 0 : i32
    %dma_wait3A_39 = arith.constant 0 : i32
    %dma_wait3A_40 = arith.constant 0 : i32
    %dma_wait3A_41 = tpu.memref_slice %arg6[%dma_wait3A_37, %dma_wait3A_39, %dma_wait3A_40] : memref<2x128x128xf32, #tpu.memory_space<vmem>> -> memref<1x128x128xf32, #tpu.memory_space<vmem>>
    %dma_wait3A_42 = tpu.memref_squeeze %dma_wait3A_41 : memref<1x128x128xf32, #tpu.memory_space<vmem>> -> memref<128x128xf32, #tpu.memory_space<vmem>>
    %dma_wait3A_43 = arith.constant 0 : i32
    %dma_wait3A_44 = tpu.memref_slice %arg4[%add3A_36, %dma_wait3A_43] : memref<278528x128xf32, #tpu.memory_space<hbm>> -> memref<128x128xf32, #tpu.memory_space<hbm>>
    %dma_wait3A_45 = tpu.memref_slice %arg8[%dma_wait3A_38] : memref<2x!tpu.dma_semaphore, #tpu.memory_space<semaphore_mem>> -> memref<1x!tpu.dma_semaphore, #tpu.memory_space<semaphore_mem>>
    %dma_wait3A_46 = tpu.memref_squeeze %dma_wait3A_45 : memref<1x!tpu.dma_semaphore, #tpu.memory_space<semaphore_mem>> -> memref<!tpu.dma_semaphore, #tpu.memory_space<semaphore_mem>>
    %dma_wait3A_47 = arith.constant 0 : i32
    %dma_wait3A_48 = tpu.memref_slice %arg4[%add3A_36, %dma_wait3A_47] : memref<278528x128xf32, #tpu.memory_space<hbm>> -> memref<128x128xf32, #tpu.memory_space<hbm>>
    %dma_wait3A_49 = arith.constant 0 : i32
    %dma_wait3A_50 = arith.constant 0 : i32
    %dma_wait3A_51 = tpu.memref_slice %arg6[%dma_wait3A_37, %dma_wait3A_49, %dma_wait3A_50] : memref<2x128x128xf32, #tpu.memory_space<vmem>> -> memref<1x128x128xf32, #tpu.memory_space<vmem>>
    %dma_wait3A_52 = tpu.memref_squeeze %dma_wait3A_51 : memref<1x128x128xf32, #tpu.memory_space<vmem>> -> memref<128x128xf32, #tpu.memory_space<vmem>>
    tpu.wait_dma2 semaphore(%dma_wait3A_46 : memref<!tpu.dma_semaphore, #tpu.memory_space<semaphore_mem>>) src(%dma_wait3A_52 : memref<128x128xf32, #tpu.memory_space<vmem>>) dst(%dma_wait3A_48 : memref<128x128xf32, #tpu.memory_space<hbm>>)
    %add3A_53 = arith.constant 8576 : i32
    %add3A_54 = arith.addi %mul3A_2, %add3A_53 : i32
    %dma_wait3A_55 = arith.constant 1 : i32
    %dma_wait3A_56 = arith.constant 1 : i32
    %dma_wait3A_57 = arith.constant 0 : i32
    %dma_wait3A_58 = arith.constant 0 : i32
    %dma_wait3A_59 = tpu.memref_slice %arg6[%dma_wait3A_55, %dma_wait3A_57, %dma_wait3A_58] : memref<2x128x128xf32, #tpu.memory_space<vmem>> -> memref<1x128x128xf32, #tpu.memory_space<vmem>>
    %dma_wait3A_60 = tpu.memref_squeeze %dma_wait3A_59 : memref<1x128x128xf32, #tpu.memory_space<vmem>> -> memref<128x128xf32, #tpu.memory_space<vmem>>
    %dma_wait3A_61 = arith.constant 0 : i32
    %dma_wait3A_62 = tpu.memref_slice %arg4[%add3A_54, %dma_wait3A_61] : memref<278528x128xf32, #tpu.memory_space<hbm>> -> memref<128x128xf32, #tpu.memory_space<hbm>>
    %dma_wait3A_63 = tpu.memref_slice %arg8[%dma_wait3A_56] : memref<2x!tpu.dma_semaphore, #tpu.memory_space<semaphore_mem>> -> memref<1x!tpu.dma_semaphore, #tpu.memory_space<semaphore_mem>>
    %dma_wait3A_64 = tpu.memref_squeeze %dma_wait3A_63 : memref<1x!tpu.dma_semaphore, #tpu.memory_space<semaphore_mem>> -> memref<!tpu.dma_semaphore, #tpu.memory_space<semaphore_mem>>
    %dma_wait3A_65 = arith.constant 0 : i32
    %dma_wait3A_66 = tpu.memref_slice %arg4[%add3A_54, %dma_wait3A_65] : memref<278528x128xf32, #tpu.memory_space<hbm>> -> memref<128x128xf32, #tpu.memory_space<hbm>>
    %dma_wait3A_67 = arith.constant 0 : i32
    %dma_wait3A_68 = arith.constant 0 : i32
    %dma_wait3A_69 = tpu.memref_slice %arg6[%dma_wait3A_55, %dma_wait3A_67, %dma_wait3A_68] : memref<2x128x128xf32, #tpu.memory_space<vmem>> -> memref<1x128x128xf32, #tpu.memory_space<vmem>>
    %dma_wait3A_70 = tpu.memref_squeeze %dma_wait3A_69 : memref<1x128x128xf32, #tpu.memory_space<vmem>> -> memref<128x128xf32, #tpu.memory_space<vmem>>
    tpu.wait_dma2 semaphore(%dma_wait3A_64 : memref<!tpu.dma_semaphore, #tpu.memory_space<semaphore_mem>>) src(%dma_wait3A_70 : memref<128x128xf32, #tpu.memory_space<vmem>>) dst(%dma_wait3A_66 : memref<128x128xf32, #tpu.memory_space<hbm>>)
    return
  }
}

module attributes {stable_mosaic.version = 14 : i64} {
  func.func @body(%arg0: i32, %arg1: i32, %arg2: memref<5120x128xf32, #tpu.memory_space<vmem>>, %arg3: memref<27x256x256xbf16, #tpu.memory_space<vmem>>, %arg4: memref<1x256xf32, #tpu.memory_space<vmem>>, %arg5: memref<1x1xf32, #tpu.memory_space<vmem>>, %arg6: memref<5120x128xf32, #tpu.memory_space<vmem>>, %arg7: memref<5120x256xf32, #tpu.memory_space<vmem>>) attributes {dimension_semantics = [#tpu.dimension_semantics<parallel>, #tpu.dimension_semantics<arbitrary>], iteration_bounds = array<i64: 2, 27>, scalar_prefetch = 0 : i64, scratch_operands = 1 : i64, tpu.core_type = #tpu.core_type<tc>, window_params = [{transform_indices = @transform_0, window_bounds = array<i64: 5120, 128>}, {pipeline_mode = #tpu.pipeline_mode<synchronous>, transform_indices = @transform_1, window_bounds = array<i64: 27, 256, 256>}, {pipeline_mode = #tpu.pipeline_mode<synchronous>, transform_indices = @transform_2, window_bounds = array<i64: 1, 256>}, {pipeline_mode = #tpu.pipeline_mode<synchronous>, transform_indices = @transform_3, window_bounds = array<i64: 1, 1>}, {transform_indices = @transform_4, window_bounds = array<i64: 5120, 128>}]} {
    %eq3A = arith.constant 0 : i32
    %eq3A_0 = arith.cmpi eq, %arg1, %eq3A : i32
    %convert_element_type3A = arith.extui %eq3A_0 : i1 to i32
    %cond3A = arith.constant 0 : i32
    %cond3A_1 = arith.cmpi ne, %convert_element_type3A, %cond3A : i32
    scf.if %cond3A_1 {
      %broadcast_in_dim3A = arith.constant 0.000000e+00 : f32
      %broadcast_in_dim3A_27 = vector.broadcast %broadcast_in_dim3A : f32 to vector<5120x256xf32>
      %swap3A_28 = arith.constant 0 : index
      %swap3A_29 = arith.constant 0 : index
      %swap3A_30 = vector.load %arg7[%swap3A_28, %swap3A_29] : memref<5120x256xf32, #tpu.memory_space<vmem>>, vector<5120x256xf32>
      tpu.vector_store %arg7[%swap3A_28, %swap3A_29], %broadcast_in_dim3A_27 {strides = array<i32>} : memref<5120x256xf32, #tpu.memory_space<vmem>>, vector<5120x256xf32>,
    } else {
    }
    %get3A = arith.constant 0 : index
    %get3A_2 = arith.constant 0 : index
    %get3A_3 = vector.load %arg7[%get3A, %get3A_2] : memref<5120x256xf32, #tpu.memory_space<vmem>>, vector<5120x256xf32>
    %get3A_4 = arith.constant 0 : index
    %get3A_5 = arith.constant 0 : index
    %get3A_6 = vector.load %arg2[%get3A_4, %get3A_5] : memref<5120x128xf32, #tpu.memory_space<vmem>>, vector<5120x128xf32>
    %bitcast_convert_type3A = tpu.bitcast %get3A_6 : vector<5120x128xf32> -> vector<5120x128xi32>
    %shift_left3A = arith.constant 16 : i32
    %shift_left3A_7 = vector.broadcast %shift_left3A : i32 to vector<5120x128xi32>
    %shift_left3A_8 = arith.shli %bitcast_convert_type3A, %shift_left3A_7 : vector<5120x128xi32>
    %bitcast_convert_type3A_9 = tpu.bitcast %shift_left3A_8 : vector<5120x128xi32> -> vector<5120x128xf32>
    %and3A = arith.constant -65536 : i32
    %and3A_10 = vector.broadcast %and3A : i32 to vector<5120x128xi32>
    %and3A_11 = arith.andi %bitcast_convert_type3A, %and3A_10 : vector<5120x128xi32>
    %bitcast_convert_type3A_12 = tpu.bitcast %and3A_11 : vector<5120x128xi32> -> vector<5120x128xf32>
    %concatenate3A = tpu.concatenate %bitcast_convert_type3A_9, %bitcast_convert_type3A_12 in 1 : vector<5120x128xf32>, vector<5120x128xf32> -> vector<5120x256xf32>
    %convert_element_type3A_13 = arith.truncf %concatenate3A : vector<5120x256xf32> to vector<5120x256xbf16>
    %get3A_14 = arith.index_cast %arg1 : i32 to index
    %get3A_15 = arith.constant 0 : index
    %get3A_16 = arith.constant 0 : index
    %get3A_17 = vector.load %arg3[%get3A_14, %get3A_15, %get3A_16] : memref<27x256x256xbf16, #tpu.memory_space<vmem>>, vector<1x256x256xbf16>
    %get3A_18 = vector.shape_cast %get3A_17 : vector<1x256x256xbf16> to vector<256x256xbf16>
    %dot_general3A = arith.constant dense<0.000000e+00> : vector<5120x256xf32>
    %dot_general3A_19 = tpu.matmul %convert_element_type3A_13, %get3A_18, %dot_general3A {dimension_numbers = #tpu.dot_dimension_numbers<[1], [0], [0], [1], [0, 0, 1, 1], [], []>, transpose_lhs_hint = false} : vector<5120x256xbf16>, vector<256x256xbf16>, vector<5120x256xf32> -> vector<5120x256xf32>
    %add3A = arith.addf %get3A_3, %dot_general3A_19 : vector<5120x256xf32>
    %swap3A = arith.constant 0 : index
    %swap3A_20 = arith.constant 0 : index
    %swap3A_21 = vector.load %arg7[%swap3A, %swap3A_20] : memref<5120x256xf32, #tpu.memory_space<vmem>>, vector<5120x256xf32>
    tpu.vector_store %arg7[%swap3A, %swap3A_20], %add3A {strides = array<i32>} : memref<5120x256xf32, #tpu.memory_space<vmem>>, vector<5120x256xf32>,
    %eq3A_22 = arith.constant 26 : i32
    %eq3A_23 = arith.cmpi eq, %arg1, %eq3A_22 : i32
    %convert_element_type3A_24 = arith.extui %eq3A_23 : i1 to i32
    %cond3A_25 = arith.constant 0 : i32
    %cond3A_26 = arith.cmpi ne, %convert_element_type3A_24, %cond3A_25 : i32
    scf.if %cond3A_26 {
      %get3A_27 = arith.constant 0 : index
      %get3A_28 = arith.constant 0 : index
      %get3A_29 = vector.load %arg7[%get3A_27, %get3A_28] : memref<5120x256xf32, #tpu.memory_space<vmem>>, vector<5120x256xf32>
      %get3A_30 = arith.constant 0 : index
      %get3A_31 = arith.constant 0 : index
      %get3A_32 = vector.load %arg4[%get3A_30, %get3A_31] : memref<1x256xf32, #tpu.memory_space<vmem>>, vector<1x256xf32>
      %add3A_33 = vector.broadcast %get3A_32 : vector<1x256xf32> to vector<5120x256xf32>
      %add3A_34 = arith.addf %get3A_29, %add3A_33 : vector<5120x256xf32>
      %ge3A = arith.constant 0.000000e+00 : f32
      %ge3A_35 = vector.broadcast %ge3A : f32 to vector<5120x256xf32>
      %ge3A_36 = arith.cmpf oge, %add3A_34, %ge3A_35 : vector<5120x256xf32>
      %get3A_37 = arith.constant 0 : index
      %get3A_38 = arith.constant 0 : index
      %get3A_39 = vector.load %arg5[%get3A_37, %get3A_38] : memref<1x1xf32, #tpu.memory_space<vmem>>, vector<1x1xf32>
      %get3A_40 = vector.extract %get3A_39[0, 0] : f32 from vector<1x1xf32>
      %mul3A = vector.broadcast %get3A_40 : f32 to vector<5120x256xf32>
      %mul3A_41 = arith.mulf %mul3A, %add3A_34 : vector<5120x256xf32>
      %select_n3A = arith.select %ge3A_36, %add3A_34, %mul3A_41 : vector<5120x256xi1>, vector<5120x256xf32>
      %mul3A_42 = arith.constant 5120 : i32
      %mul3A_43 = arith.muli %arg0, %mul3A_42 : i32
      %iota3A = tpu.iota {dimensions = array<i32: 0>} : vector<5120x256xi32>
      %add3A_44 = vector.broadcast %mul3A_43 : i32 to vector<5120x256xi32>
      %add3A_45 = arith.addi %add3A_44, %iota3A : vector<5120x256xi32>
      %lt3A = arith.constant 10000 : i32
      %lt3A_46 = vector.broadcast %lt3A : i32 to vector<5120x256xi32>
      %lt3A_47 = arith.cmpi slt, %add3A_45, %lt3A_46 : vector<5120x256xi32>
      %jit3A = arith.constant 0.000000e+00 : f32
      %broadcast_in_dim3A = vector.broadcast %jit3A : f32 to vector<5120x256xf32>
      %select_n3A_48 = arith.select %lt3A_47, %select_n3A, %broadcast_in_dim3A : vector<5120x256xi1>, vector<5120x256xf32>
      %convert_element_type3A_49 = arith.truncf %select_n3A_48 : vector<5120x256xf32> to vector<5120x256xbf16>
      %slice3A = vector.extract_strided_slice %convert_element_type3A_49 {offsets = [0, 0], sizes = [5120, 128], strides = [1, 1]} : vector<5120x256xbf16> to vector<5120x128xbf16>
      %convert_element_type3A_50 = arith.extf %slice3A : vector<5120x128xbf16> to vector<5120x128xf32>
      %bitcast_convert_type3A_51 = tpu.bitcast %convert_element_type3A_50 : vector<5120x128xf32> -> vector<5120x128xi32>
      %slice3A_52 = vector.extract_strided_slice %convert_element_type3A_49 {offsets = [0, 128], sizes = [5120, 128], strides = [1, 1]} : vector<5120x256xbf16> to vector<5120x128xbf16>
      %convert_element_type3A_53 = arith.extf %slice3A_52 : vector<5120x128xbf16> to vector<5120x128xf32>
      %bitcast_convert_type3A_54 = tpu.bitcast %convert_element_type3A_53 : vector<5120x128xf32> -> vector<5120x128xi32>
      %shift_right_logical3A = arith.constant 16 : i32
      %shift_right_logical3A_55 = vector.broadcast %shift_right_logical3A : i32 to vector<5120x128xi32>
      %shift_right_logical3A_56 = arith.shrui %bitcast_convert_type3A_51, %shift_right_logical3A_55 : vector<5120x128xi32>
      %and3A_57 = arith.constant -65536 : i32
      %and3A_58 = vector.broadcast %and3A_57 : i32 to vector<5120x128xi32>
      %and3A_59 = arith.andi %bitcast_convert_type3A_54, %and3A_58 : vector<5120x128xi32>
      %or3A = arith.ori %shift_right_logical3A_56, %and3A_59 : vector<5120x128xi32>
      %bitcast_convert_type3A_60 = tpu.bitcast %or3A : vector<5120x128xi32> -> vector<5120x128xf32>
      %swap3A_61 = arith.constant 0 : index
      %swap3A_62 = arith.constant 0 : index
      %swap3A_63 = vector.load %arg6[%swap3A_61, %swap3A_62] : memref<5120x128xf32, #tpu.memory_space<vmem>>, vector<5120x128xf32>
      tpu.vector_store %arg6[%swap3A_61, %swap3A_62], %bitcast_convert_type3A_60 {strides = array<i32>} : memref<5120x128xf32, #tpu.memory_space<vmem>>, vector<5120x128xf32>,
    } else {
    }
    return
  }
  func.func @transform_0(%arg0: i32, %arg1: i32) -> (i32, i32) {
    %mul3A = arith.constant 2 : i32
    %mul3A_0 = arith.muli %arg1, %mul3A : i32
    %add3A = arith.addi %mul3A_0, %arg0 : i32
    %c0_i32 = arith.constant 0 : i32
    %c0_i32_1 = arith.constant 0 : i32
    return %add3A, %c0_i32 : i32, i32
  }
  func.func @transform_1(%arg0: i32, %arg1: i32) -> (i32, i32, i32) {
    %c0_i32 = arith.constant 0 : i32
    %c0_i32_0 = arith.constant 0 : i32
    %c0_i32_1 = arith.constant 0 : i32
    %c0_i32_2 = arith.constant 0 : i32
    return %c0_i32, %c0_i32_0, %c0_i32_1 : i32, i32, i32
  }
  func.func @transform_2(%arg0: i32, %arg1: i32) -> (i32, i32) {
    %c0_i32 = arith.constant 0 : i32
    %c0_i32_0 = arith.constant 0 : i32
    %c0_i32_1 = arith.constant 0 : i32
    return %c0_i32, %c0_i32_0 : i32, i32
  }
  func.func @transform_3(%arg0: i32, %arg1: i32) -> (i32, i32) {
    %c0_i32 = arith.constant 0 : i32
    %c0_i32_0 = arith.constant 0 : i32
    %c0_i32_1 = arith.constant 0 : i32
    return %c0_i32, %c0_i32_0 : i32, i32
  }
  func.func @transform_4(%arg0: i32, %arg1: i32) -> (i32, i32) {
    %c0_i32 = arith.constant 0 : i32
    %c0_i32_0 = arith.constant 0 : i32
    return %arg0, %c0_i32 : i32, i32
  }
}

module attributes {stable_mosaic.version = 14 : i64} {
  func.func @body(%arg0: i32, %arg1: i32, %arg2: memref<5120x128xf32, #tpu.memory_space<vmem>>, %arg3: memref<27x256x256xbf16, #tpu.memory_space<vmem>>, %arg4: memref<1x256xf32, #tpu.memory_space<vmem>>, %arg5: memref<1x1xf32, #tpu.memory_space<vmem>>, %arg6: memref<5120x256xf32, #tpu.memory_space<vmem>>, %arg7: memref<5120x256xf32, #tpu.memory_space<vmem>>, %arg8: memref<5120x256xf32, #tpu.memory_space<vmem>>) attributes {dimension_semantics = [#tpu.dimension_semantics<parallel>, #tpu.dimension_semantics<arbitrary>], iteration_bounds = array<i64: 2, 27>, scalar_prefetch = 0 : i64, scratch_operands = 1 : i64, tpu.core_type = #tpu.core_type<tc>, window_params = [{transform_indices = @transform_0, window_bounds = array<i64: 5120, 128>}, {pipeline_mode = #tpu.pipeline_mode<synchronous>, transform_indices = @transform_1, window_bounds = array<i64: 27, 256, 256>}, {pipeline_mode = #tpu.pipeline_mode<synchronous>, transform_indices = @transform_2, window_bounds = array<i64: 1, 256>}, {pipeline_mode = #tpu.pipeline_mode<synchronous>, transform_indices = @transform_3, window_bounds = array<i64: 1, 1>}, {transform_indices = @transform_4, window_bounds = array<i64: 5120, 256>}, {transform_indices = @transform_5, window_bounds = array<i64: 5120, 256>}]} {
    %eq3A = arith.constant 0 : i32
    %eq3A_0 = arith.cmpi eq, %arg1, %eq3A : i32
    %convert_element_type3A = arith.extui %eq3A_0 : i1 to i32
    %cond3A = arith.constant 0 : i32
    %cond3A_1 = arith.cmpi ne, %convert_element_type3A, %cond3A : i32
    scf.if %cond3A_1 {
      %broadcast_in_dim3A = arith.constant 0.000000e+00 : f32
      %broadcast_in_dim3A_27 = vector.broadcast %broadcast_in_dim3A : f32 to vector<5120x256xf32>
      %swap3A_28 = arith.constant 0 : index
      %swap3A_29 = arith.constant 0 : index
      %swap3A_30 = vector.load %arg8[%swap3A_28, %swap3A_29] : memref<5120x256xf32, #tpu.memory_space<vmem>>, vector<5120x256xf32>
      tpu.vector_store %arg8[%swap3A_28, %swap3A_29], %broadcast_in_dim3A_27 {strides = array<i32>} : memref<5120x256xf32, #tpu.memory_space<vmem>>, vector<5120x256xf32>,
    } else {
    }
    %get3A = arith.constant 0 : index
    %get3A_2 = arith.constant 0 : index
    %get3A_3 = vector.load %arg8[%get3A, %get3A_2] : memref<5120x256xf32, #tpu.memory_space<vmem>>, vector<5120x256xf32>
    %get3A_4 = arith.constant 0 : index
    %get3A_5 = arith.constant 0 : index
    %get3A_6 = vector.load %arg2[%get3A_4, %get3A_5] : memref<5120x128xf32, #tpu.memory_space<vmem>>, vector<5120x128xf32>
    %bitcast_convert_type3A = tpu.bitcast %get3A_6 : vector<5120x128xf32> -> vector<5120x128xi32>
    %shift_left3A = arith.constant 16 : i32
    %shift_left3A_7 = vector.broadcast %shift_left3A : i32 to vector<5120x128xi32>
    %shift_left3A_8 = arith.shli %bitcast_convert_type3A, %shift_left3A_7 : vector<5120x128xi32>
    %bitcast_convert_type3A_9 = tpu.bitcast %shift_left3A_8 : vector<5120x128xi32> -> vector<5120x128xf32>
    %and3A = arith.constant -65536 : i32
    %and3A_10 = vector.broadcast %and3A : i32 to vector<5120x128xi32>
    %and3A_11 = arith.andi %bitcast_convert_type3A, %and3A_10 : vector<5120x128xi32>
    %bitcast_convert_type3A_12 = tpu.bitcast %and3A_11 : vector<5120x128xi32> -> vector<5120x128xf32>
    %concatenate3A = tpu.concatenate %bitcast_convert_type3A_9, %bitcast_convert_type3A_12 in 1 : vector<5120x128xf32>, vector<5120x128xf32> -> vector<5120x256xf32>
    %convert_element_type3A_13 = arith.truncf %concatenate3A : vector<5120x256xf32> to vector<5120x256xbf16>
    %get3A_14 = arith.index_cast %arg1 : i32 to index
    %get3A_15 = arith.constant 0 : index
    %get3A_16 = arith.constant 0 : index
    %get3A_17 = vector.load %arg3[%get3A_14, %get3A_15, %get3A_16] : memref<27x256x256xbf16, #tpu.memory_space<vmem>>, vector<1x256x256xbf16>
    %get3A_18 = vector.shape_cast %get3A_17 : vector<1x256x256xbf16> to vector<256x256xbf16>
    %dot_general3A = arith.constant dense<0.000000e+00> : vector<5120x256xf32>
    %dot_general3A_19 = tpu.matmul %convert_element_type3A_13, %get3A_18, %dot_general3A {dimension_numbers = #tpu.dot_dimension_numbers<[1], [0], [0], [1], [0, 0, 1, 1], [], []>, transpose_lhs_hint = false} : vector<5120x256xbf16>, vector<256x256xbf16>, vector<5120x256xf32> -> vector<5120x256xf32>
    %add3A = arith.addf %get3A_3, %dot_general3A_19 : vector<5120x256xf32>
    %swap3A = arith.constant 0 : index
    %swap3A_20 = arith.constant 0 : index
    %swap3A_21 = vector.load %arg8[%swap3A, %swap3A_20] : memref<5120x256xf32, #tpu.memory_space<vmem>>, vector<5120x256xf32>
    tpu.vector_store %arg8[%swap3A, %swap3A_20], %add3A {strides = array<i32>} : memref<5120x256xf32, #tpu.memory_space<vmem>>, vector<5120x256xf32>,
    %eq3A_22 = arith.constant 26 : i32
    %eq3A_23 = arith.cmpi eq, %arg1, %eq3A_22 : i32
    %convert_element_type3A_24 = arith.extui %eq3A_23 : i1 to i32
    %cond3A_25 = arith.constant 0 : i32
    %cond3A_26 = arith.cmpi ne, %convert_element_type3A_24, %cond3A_25 : i32
    scf.if %cond3A_26 {
      %get3A_27 = arith.constant 0 : index
      %get3A_28 = arith.constant 0 : index
      %get3A_29 = vector.load %arg8[%get3A_27, %get3A_28] : memref<5120x256xf32, #tpu.memory_space<vmem>>, vector<5120x256xf32>
      %get3A_30 = arith.constant 0 : index
      %get3A_31 = arith.constant 0 : index
      %get3A_32 = vector.load %arg4[%get3A_30, %get3A_31] : memref<1x256xf32, #tpu.memory_space<vmem>>, vector<1x256xf32>
      %add3A_33 = vector.broadcast %get3A_32 : vector<1x256xf32> to vector<5120x256xf32>
      %add3A_34 = arith.addf %get3A_29, %add3A_33 : vector<5120x256xf32>
      %get3A_35 = arith.constant 0 : index
      %get3A_36 = arith.constant 0 : index
      %get3A_37 = vector.load %arg6[%get3A_35, %get3A_36] : memref<5120x256xf32, #tpu.memory_space<vmem>>, vector<5120x256xf32>
      %add3A_38 = arith.addf %add3A_34, %get3A_37 : vector<5120x256xf32>
      %ge3A = arith.constant 0.000000e+00 : f32
      %ge3A_39 = vector.broadcast %ge3A : f32 to vector<5120x256xf32>
      %ge3A_40 = arith.cmpf oge, %add3A_38, %ge3A_39 : vector<5120x256xf32>
      %get3A_41 = arith.constant 0 : index
      %get3A_42 = arith.constant 0 : index
      %get3A_43 = vector.load %arg5[%get3A_41, %get3A_42] : memref<1x1xf32, #tpu.memory_space<vmem>>, vector<1x1xf32>
      %get3A_44 = vector.extract %get3A_43[0, 0] : f32 from vector<1x1xf32>
      %mul3A = vector.broadcast %get3A_44 : f32 to vector<5120x256xf32>
      %mul3A_45 = arith.mulf %mul3A, %add3A_38 : vector<5120x256xf32>
      %select_n3A = arith.select %ge3A_40, %add3A_38, %mul3A_45 : vector<5120x256xi1>, vector<5120x256xf32>
      %swap3A_46 = arith.constant 0 : index
      %swap3A_47 = arith.constant 0 : index
      %swap3A_48 = vector.load %arg7[%swap3A_46, %swap3A_47] : memref<5120x256xf32, #tpu.memory_space<vmem>>, vector<5120x256xf32>
      tpu.vector_store %arg7[%swap3A_46, %swap3A_47], %select_n3A {strides = array<i32>} : memref<5120x256xf32, #tpu.memory_space<vmem>>, vector<5120x256xf32>,
    } else {
    }
    return
  }
  func.func @transform_0(%arg0: i32, %arg1: i32) -> (i32, i32) {
    %mul3A = arith.constant 2 : i32
    %mul3A_0 = arith.muli %arg1, %mul3A : i32
    %add3A = arith.addi %mul3A_0, %arg0 : i32
    %c0_i32 = arith.constant 0 : i32
    %c0_i32_1 = arith.constant 0 : i32
    return %add3A, %c0_i32 : i32, i32
  }
  func.func @transform_1(%arg0: i32, %arg1: i32) -> (i32, i32, i32) {
    %c0_i32 = arith.constant 0 : i32
    %c0_i32_0 = arith.constant 0 : i32
    %c0_i32_1 = arith.constant 0 : i32
    %c0_i32_2 = arith.constant 0 : i32
    return %c0_i32, %c0_i32_0, %c0_i32_1 : i32, i32, i32
  }
  func.func @transform_2(%arg0: i32, %arg1: i32) -> (i32, i32) {
    %c0_i32 = arith.constant 0 : i32
    %c0_i32_0 = arith.constant 0 : i32
    %c0_i32_1 = arith.constant 0 : i32
    return %c0_i32, %c0_i32_0 : i32, i32
  }
  func.func @transform_3(%arg0: i32, %arg1: i32) -> (i32, i32) {
    %c0_i32 = arith.constant 0 : i32
    %c0_i32_0 = arith.constant 0 : i32
    %c0_i32_1 = arith.constant 0 : i32
    return %c0_i32, %c0_i32_0 : i32, i32
  }
  func.func @transform_4(%arg0: i32, %arg1: i32) -> (i32, i32) {
    %c0_i32 = arith.constant 0 : i32
    %c0_i32_0 = arith.constant 0 : i32
    return %arg0, %c0_i32 : i32, i32
  }
  func.func @transform_5(%arg0: i32, %arg1: i32) -> (i32, i32) {
    %c0_i32 = arith.constant 0 : i32
    %c0_i32_0 = arith.constant 0 : i32
    return %arg0, %c0_i32 : i32, i32
  }
}

</mosaic_0001>

<sc_bundles>
// kernel: kernel.6.cloned.1.call-start
scs
__scs_entry_jumppad:
0x0: {  	(pc) =	sbr.rel $0x88, $3  }
0x1: {  	(tag) =	ssettag $0x0;
	lr =	simm.s32 $0x1  }
0x2: {  	[smem:$0x3F99] =	sst lr;
	_ =	strace $0xD0000000  }
0x3: {  	_ = 	snop  }
0x4: {  	_ = 	snop  }
0x5: {  	_ = 	snop  }
0x6: {  	_ = 	snop  }
0x7: {  	_ = 	snop  }
__scs_overlays_trampoline_lowered:
0x8: {  	[smem:$0x3FA8] =	sst s0  }
0x9: {  	[smem:$0x3FA9] =	sst s1  }
0xa: {  	[smem:$0x3FAA] =	sst s2  }
0xb: {  	[smem:$0x3FAB] =	sst s3  }
0xc: {  	[smem:$0x3FAC] =	sst s4  }
0xd: {  	[smem:$0x3FAD] =	sst s5  }
0xe: {  	[smem:$0x3FAE] =	sst s6  }
0xf: {  	[smem:$0x3FAF] =	sst s7  }
0x10: {  	[smem:$0x3FB0] =	sst s8  }
0x11: {  	[smem:$0x3FB1] =	sst s9;
	s0 =	simm.s32 @!p0 $0x0  }
0x12: {  	s1 =	sld [smem:$0x3F97];
	s0 =	simm.s32 @p0 $0x1  }
0x13: {  	[smem:$0x3FB2] =	sst s0;
	s0 =	simm.s32 @!p1 $0x0  }
0x14: {  	s2 =	sld [smem:$0x3F96];
	s0 =	simm.s32 @p1 $0x1  }
0x15: {  	[smem:$0x3FB3] =	sst s0;
	s0 =	simm.s32 @!p2 $0x0  }
0x16: {  	s3 =	sld [smem:$0x3FDB];
	s0 =	simm.s32 @p2 $0x1  }
0x17: {  	s4 =	simm.s32 $0x1BF5;
	[smem:$0x3FB5] =	sst s0  }
0x18: {  	s0 =	sld [smem:$0x3F98];
	_ =	swait.ge [sflag:s4], $0x0  }
0x19: {  	s7 =	sld [smem:$0x3F99]  }
0x1a: {  	s8 =	sadd.s32 $0xFFFFE003, lr  }
0x1b: {  	s9 =	sadd.s32 $0xFFFFFEF7, lr;
	s5 =	simm.s32 $0xFFFFFFFF;
	p2 =	slt.u32 s8, $0xFFFFF086  }
0x1c: {  	p1 =	slt.u32 s9, $0xF7A;
	s5 =	simm.s32 @!p2 $0x0  }
0x1d: {  	s5 =	simm.s32 @p1 $0x1;
	p0 =	seq.s32 s7, s2  }
0x1e: {  	s7 =	smul.u32 @!p0 $0xF7A, s2;
	p2 =	seq.s32 @!p0 s5, $0x0  }
0x1f: {  	s9 =	smul.u32 $0xF7A, s1;
	s8 =	simm.s32 @!p0 $0x1BF5;
	p2 =	por !p2, p0  }
0x20: {  	[sflag:s8] =	ssyncset.s32 @!p0 $0xFFFFF086;
	s6 =	sadd.s32 @!p0 s3, s7;
	s7 =	simm.s32 @!p0 $0x108  }
0x21: {  	s3 =	sadd.s32 s3, s9;
	s6 =	sadd.s32 @!p0 $0x88, s6;
	s7 =	simm.s32 @p2 $0x1082  }
0x22: {  	[simem:s7], [sflag:s8] =	dma.local @!p0 [hbm:s6], $0xF7A  }
0x23: {  	s9 =	sor.u32 $0xD0000000, s2;
	s6 =	simm.s32 $0x108;
	_ =	swait.ge @!p0 [sflag:s8], $0x0  }
0x24: {  	s3 =	sadd.s32 $0x88, s3;
	s6 =	simm.s32 @!p1 $0x1082;
	[sflag:s4] =	ssyncset.s32 $0xFFFFF086  }
0x25: {  	[simem:s6], [sflag:s4] =	dma.local [hbm:s3], $0xF7A  }
0x26: {  	[smem:$0x3F99] =	sst s1;
	(tag) =	ssettag s2;
	_ =	strace s9  }
0x27: {  	s1 =	sld [smem:$0x3FA9]  }
0x28: {  	s2 =	sld [smem:$0x3FAA]  }
0x29: {  	s4 =	sld [smem:$0x3FAC]  }
0x2a: {  	p0 =	seq.s32 s5, $0x0;
	s5 =	sld [smem:$0x3FAD]  }
0x2b: {  	s6 =	sld [smem:$0x3FAE]  }
0x2c: {  	s7 =	sld [smem:$0x3FAF]  }
0x2d: {  	s3 =	simm.s32 $0x108;
	s8 =	sld [smem:$0x3FB0]  }
0x2e: {  	s3 =	simm.s32 @!p0 $0x1082;
	s9 =	sld [smem:$0x3FB1]  }
0x2f: {  	lr =	sadd.s32 s0, s3;
	s0 =	sld [smem:$0x3FA8]  }
0x30: {  	s3 =	sld [smem:$0x3FAB]  }
0x31: {  	[smem:$0x3FB4] =	sst s10  }
0x32: {  	s10 =	sld [smem:$0x3FB2];
	_ =	sdelay $0x3  }
0x33: {  	p0 =	seq.s32 s10, $0x1;
	s10 =	sld [smem:$0x3FB4];
	_ =	sdelay $0x3  }
0x34: {  	[smem:$0x3FB4] =	sst s10  }
0x35: {  	s10 =	sld [smem:$0x3FB3];
	_ =	sdelay $0x3  }
0x36: {  	p1 =	seq.s32 s10, $0x1;
	s10 =	sld [smem:$0x3FB4];
	_ =	sdelay $0x3  }
0x37: {  	[smem:$0x3FB4] =	sst s10  }
0x38: {  	s10 =	sld [smem:$0x3FB5]  }
0x39: {  	_ = 	snop;
	(pc) =	sbr.ind lr, $3  }
0x3a: {  	_ = 	snop  }
0x3b: {  	_ = 	snop  }
0x3c: {  	p2 =	seq.s32 s10, $0x1;
	s10 =	sld [smem:$0x3FB4]  }
0x3d: {  	_ =	shalt  }
0x3e: {  	_ =	shalt  }
0x3f: {  	_ =	shalt  }
0x40: {  	_ =	shalt  }
0x41: {  	_ =	shalt  }
0x42: {  	_ =	shalt  }
0x43: {  	_ =	shalt  }
0x44: {  	_ =	shalt  }
0x45: {  	_ =	shalt  }
0x46: {  	_ =	shalt  }
0x47: {  	_ =	shalt  }
0x48: {  	_ =	shalt  }
0x49: {  	_ =	shalt  }
0x4a: {  	_ =	shalt  }
0x4b: {  	_ =	shalt  }
0x4c: {  	_ =	shalt  }
0x4d: {  	_ =	shalt  }
0x4e: {  	_ =	shalt  }
0x4f: {  	_ =	shalt  }
0x50: {  	_ =	shalt  }
0x51: {  	_ =	shalt  }
0x52: {  	_ =	shalt  }
0x53: {  	_ =	shalt  }
0x54: {  	_ =	shalt  }
0x55: {  	_ =	shalt  }
0x56: {  	_ =	shalt  }
0x57: {  	_ =	shalt  }
0x58: {  	_ =	shalt  }
0x59: {  	_ =	shalt  }
0x5a: {  	_ =	shalt  }
0x5b: {  	_ =	shalt  }
0x5c: {  	_ =	shalt  }
0x5d: {  	_ =	shalt  }
0x5e: {  	_ =	shalt  }
0x5f: {  	_ =	shalt  }
0x60: {  	_ =	shalt  }
0x61: {  	_ =	shalt  }
0x62: {  	_ =	shalt  }
0x63: {  	_ =	shalt  }
0x64: {  	_ =	shalt  }
0x65: {  	_ =	shalt  }
0x66: {  	_ =	shalt  }
0x67: {  	_ =	shalt  }
0x68: {  	_ =	shalt  }
0x69: {  	_ =	shalt  }
0x6a: {  	_ =	shalt  }
0x6b: {  	_ =	shalt  }
0x6c: {  	_ =	shalt  }
0x6d: {  	_ =	shalt  }
0x6e: {  	_ =	shalt  }
0x6f: {  	_ =	shalt  }
0x70: {  	_ =	shalt  }
0x71: {  	_ =	shalt  }
0x72: {  	_ =	shalt  }
0x73: {  	_ =	shalt  }
0x74: {  	_ =	shalt  }
0x75: {  	_ =	shalt  }
0x76: {  	_ =	shalt  }
0x77: {  	_ =	shalt  }
0x78: {  	_ =	shalt  }
0x79: {  	_ =	shalt  }
0x7a: {  	_ =	shalt  }
0x7b: {  	_ =	shalt  }
0x7c: {  	_ =	shalt  }
0x7d: {  	_ =	shalt  }
0x7e: {  	_ =	shalt  }
0x7f: {  	_ =	shalt  }
0x80: {  	_ =	shalt  }
0x81: {  	_ =	shalt  }
0x82: {  	_ =	shalt  }
0x83: {  	_ =	shalt  }
0x84: {  	_ =	shalt  }
0x85: {  	_ =	shalt  }
0x86: {  	_ =	shalt  }
0x87: {  	_ =	shalt  }
.Lfunc_end0:
.L_simem_size_0:
called_computation_lowered:
.L_overlay_start_0:
0x88: {  	s2 =	sld [smem:$0x3FD9]  }
0x89: {  	s3 =	sld [smem:$0x3FFE];
	_ =	sdelay $0x1  }
0x8a: {  	s1 =	srdreg.scid  }
0x8b: {  	s0 =	sand.u32 $0x1, s1  }
0x8c: {  	s17 =	sshll.u32 s0, $0xA;
	s2 =	sadd.s32 s3, s2  }
0x8d: {  	s2 =	sadd.s32 s2, s17  }
0x8e: {  	[smem:$0x3FC0] =	sst s2  }
0x8f: {  	_ = 	snop  }
0x90: {  	s2 =	sld [smem:$0x3FD0];
	(tm) =	ssettm $0x1  }
0x91: {  	s18 =	sld [smem:$0x3FFB];
	_ =	sdelay $0x3  }
0x92: {  	_ =	strace s18  }
0x93: {  	s3 =	sld [smem:$0x3FFC];
	_ =	sdelay $0x3  }
0x94: {  	_ =	strace s3  }
0x95: {  	s3 =	sld [smem:$0x3FFD];
	_ =	sdelay $0x3  }
0x96: {  	_ =	strace s3  }
0x97: {  	_ =	strace $0x8FFFFFFF  }
0x98: {  	s19 =	sld [smem:$0x3FDB];
	_ =	sdelay $0x1  }
0x99: {  	s4 =	simm.s32 $_scs_section_size  }
0x9a: {  	s5 =	simm.s32 $_size__tile_overlayer_lowered;
	s6 =	simm.s32 $_tile_overlayer_lowered  }
0x9b: {  	s22 =	simm.s32 $0x1BFF;
	s21 =	sshll.u32 s6, $0x1;
	s3 =	sadd.s32 s4, s19  }
0x9c: {  	s7 =	simm.s32 $0x0;
	s20 =	sshll.u32 s5, $0x1;
	s5 =	sadd.s32 s21, s3  }
0x9d: {  	[timem:s7], [sflag:s22] =	dma.local [hbm:s5], s20  }
0x9e: {  	_ =	swait.ge [sflag:s22], s20  }
0x9f: {  	s4 =	ssub.s32 $0x0, s20;
	[sflag:s22] =	ssyncset.done $0x0  }
0xa0: {  	[sflag:s22] =	ssyncadd.s32 s4;
	_ =	sdelay $0x1  }
0xa1: {  	s23 =	simm.s32 $0x1B8B  }
0xa2: {  	_ =	swait.ge [sflag:s23], $0x1  }
0xa3: {  	[sflag:s23] =	ssyncset.done $0x0  }
0xa4: {  	s25 =	simm.s32 $0x1B8E;
	s24 =	sld [smem:$0x3FFE];
	[sflag:s23] =	ssyncadd.s32 $0xFFFFFFFF  }
0xa5: {  	s26 =	simm.s32 $execute0_lowered;
	[smem:$0x3FD2] =	sst s25  }
0xa6: {  	s5 =	sshll.u32 s26, $0x1;
	_ =	strace $0x80000046;
	[dreg:$0x1] =	wrdreg $0xFFFFFFFF  }
0xa7: {  	s28 =	simm.s32 $_size_execute0_lowered;
	s3 =	sadd.s32 s3, s5;
	[dreg:$0x0] =	wrdreg $0x0  }
0xa8: {  	s5 =	sshll.u32 s28, $0x1;
	[dreg:$0x2] =	wrdreg s3  }
0xa9: {  	[dreg:$0x3] =	wrdreg s5  }
0xaa: {  	[dreg:$0x4] =	wrdreg $0xC0  }
0xab: {  	_ =	task [dreg:s7], $0x5FFFF  }
0xac: {  	[dreg:$0x1] =	wrdreg $0xFFFFFFFF  }
0xad: {  	[dreg:$0x0] =	wrdreg $0x60  }
0xae: {  	[dreg:$0x2] =	wrdreg s2  }
0xaf: {  	[dreg:$0x3] =	wrdreg s24  }
0xb0: {  	[dreg:$0x4] =	wrdreg $0x9  }
0xb1: {  	_ =	task.clear_ibuf [dreg:s7], $0x5FFFF;
	_ =	strace $0x90000046  }
0xb2: {  	s29 =	simm.s32 $0x9;
	_ =	strace $0x80000048  }
0xb3: {  	_ =	swait.ge [sflag:s29], $0x1  }
0xb4: {  	[sflag:s29] =	ssyncadd.s32 $0xFFFFFFFF  }
0xb5: {  	_ =	strace $0x90000048  }
0xb6: {  	_ =	sfence  }
0xb7: {  	s30 =	sld [smem:$0x0];
	_ =	sdelay $0x2  }
0xb8: {  	s31 =	sshll.u32 s1, $0xD;
	s1 =	sshrl.u32 s1, $0x2  }
0xb9: {  	s3 =	sand.u32 $0x4000, s31;
	s1 =	sadd.s32 s1, s30  }
0xba: {  	s0 =	sor.u32 s3, s0;
	s1 =	sshll.u32 s1, $0x11  }
0xbb: {  	s0 =	sor.u32 s1, s0  }
0xbc: {  	s0 =	sadd.s32 $0x8F2B, s0  }
0xbd: {  	[sflag:s0] =	ssyncadd.remote.s32 $0x1  }
0xbe: {  	_ =	sfence.sel $0xFFFF  }
0xbf: {  	[dreg:$0x0] =	wrdreg $0xFFFFFFFF;
	(pc) =	sbr.abs _section_cstart, $3  }
0xc0: {  	[dreg:$0x1] =	wrdreg $0xFFFFFFFF  }
0xc1: {  	_ =	task.clear_ibuf [dreg:s7], $0x2FFFF;
	_ =	strace $0x9FFFFFFF  }
0xc2: {  	(tm) =	ssettm $0x7FFFFFFF  }
0xc3: {  	_ =	shalt  }
tec
execute0_lowered:
.L_overlay_start_1:
0x0: {  	(tag) =	ssettag $0x1  }
0x1: {  	s1 =	srdreg.scid  }
0x2: {  	s0 =	stileid.u32;
	s2 =	rddreg [dreg:$0x0]  }
0x3: {  	s4 =	rddreg [dreg:$0x1];
	s3 =	simm.s32 $0x0;
	s14 =	simm.s32 $0x1  }
0x4: {  	s15 =	simm.s32 $0x3;
	s16 =	simm.s32 $0x2;
	s11 =	smul.u32 $0x44000, s0  }
0x5: {  	s17 =	simm.s32 $0x4;
	s6 =	sand.u32 $0x1, s1;
	s28 =	smul.u32 $0x220000, s0  }
0x6: {  	s18 =	simm.s32 $0x0;
	s24 =	sshll.u32 s0, $0x1;
	s13 =	smul.u32 $0x110000, s6  }
0x7: {  	s1 =	rddreg [dreg:$0x2];
	s5 =	sor.u32 s6, s24;
	s30 =	smul.u32 $0x22000, s6  }
0x8: {  	[smem:$0x7FF] =	sst s3;
	s12 =	sadd.s32 $0x9400, s4;
	s7 =	smul.u32 $0x440, s5  }
0x9: {  	_ =	strace $0x80000047;
	s9 =	ssub.s32 $0x2, s6;
	s8 =	smul.u32 $0x110000, s5  }
0xa: {  	s10 =	smul.u32 $0x22000, s5;
	s26 =	sshrl.u32 s9, $0x1;
	s31 =	sadd.s32 s11, s12  }
0xb: {  	s11 =	simm.s32 $0x80;
	s25 =	sadd.s32 s7, s4;
	s7 =	ssub.s32 s9, s26  }
0xc: {  	s8 =	sshrl.u32 s8, $0x3;
	s9 =	sadd.s32 s13, s28;
	s10 =	sadd.s32 s10, s12  }
0xd: {  	s13 =	simm.s32 $0x6200;
	s4 =	sadd.s32 $0xC00, s25;
	s5 =	smax.u32 s7, $0x1  }
0xe: {  	s29 =	sadd.s32 s12, s8;
	s8 =	sadd.s32 s30, s31;
	s9 =	sshrl.u32 s9, $0x3  }
0xf: {  	s7 =	sadd.s32 $0x21800, s10;
	s10 =	simm.s32 $0x5;
	s6 =	sadd.s32 $0x21000, s29  }
0x10: {  	s8 =	sadd.s32 $0x800, s8;
	s9 =	sadd.s32 s9, s12;
	s12 =	simm.s32 $0x2200  }
.LBB2_1:
0x11: {  	[tilespmem:s3], [sflag:$0x5] =	stream.linear.gather [hbm4b:s4+s3], $0x2200, $0x38;
	[tilespmem:$0xA200] =	vst v63  }
0x12: {  	_ =	swait.ge [sflag:s10], $0x2200  }
0x13: {  	[sflag:s10] =	ssyncset.done $0x0  }
0x14: {  	[sflag:s10] =	ssyncadd.s32 $0xFFFFDE00  }
0x15: {  	[tilespmem:s12], [sflag:$0x1] =	stream.indirect.gather [hbm4b:s2+s11], $0x80, s3, s11, $0xb8;
	[tilespmem:$0xA200] =	vst v63  }
0x16: {  	_ = 	snop  }
0x17: {  	[tilespmem:s13], [sflag:$0x2] =	stream.indirect.gather [hbm4b:s2+s11], $0x80, s11, s11, $0xb8;
	[tilespmem:$0xA200] =	vst v63  }
0x18: {  	_ =	swait.ge [sflag:s14], $0x4000  }
0x19: {  	[sflag:s14] =	ssyncset.done $0x0  }
0x1a: {  	s19 =	sadd.s32 $0x0, s9;
	[sflag:s14] =	ssyncadd.s32 $0xFFFFC000  }
0x1b: {  	[hbm4b:s19+s3] =	stream.linear.scatter [tilespmem:s12], [sflag:$0x3], $0x4000, $0x38;
	[tilespmem:$0xA200] =	vst v63  }
0x1c: {  	_ =	swait.ge [sflag:s15], $0x4000  }
0x1d: {  	[sflag:s15] =	ssyncset.done $0x0  }
0x1e: {  	s30 =	simm.s32 $0x100;
	[sflag:s15] =	ssyncadd.s32 $0xFFFFC000  }
0x1f: {  	[tilespmem:s12], [sflag:$0x1] =	stream.indirect.gather [hbm4b:s2+s11], $0x80, s30, s11, $0xb8;
	[tilespmem:$0xA200] =	vst v63  }
0x20: {  	_ =	swait.ge [sflag:s16], $0x4000  }
0x21: {  	[sflag:s16] =	ssyncset.done $0x0  }
0x22: {  	s31 =	sadd.s32 $0x0, s8;
	[sflag:s16] =	ssyncadd.s32 $0xFFFFC000  }
0x23: {  	[hbm4b:s31+s3] =	stream.linear.scatter [tilespmem:s13], [sflag:$0x4], $0x4000, $0x38;
	[tilespmem:$0xA200] =	vst v63  }
0x24: {  	_ =	swait.ge [sflag:s17], $0x4000  }
0x25: {  	s20 =	simm.s32 $0x1000;
	[sflag:s17] =	ssyncset.done $0x0  }
0x26: {  	s21 =	simm.s32 $0x280;
	s19 =	simm.s32 $0x180;
	[sflag:s17] =	ssyncadd.s32 $0xFFFFC000  }
.LBB2_2:
0x27: {  	[tilespmem:s13], [sflag:$0x2] =	stream.indirect.gather [hbm4b:s2+s11], $0x80, s19, s11, $0xb8;
	[tilespmem:$0xA200] =	vst v63  }
0x28: {  	s22 =	smov.u32 s20;
	s19 =	smov.u32 s21  }
0x29: {  	p0 =	sne.s32 s20, $0x20000;
	s20 =	sadd.s32 $0x1000, s20;
	_ =	swait.ge [sflag:s14], $0x4000  }
0x2a: {  	[sflag:s14] =	ssyncset.done $0x0  }
0x2b: {  	s23 =	sadd.s32 s22, s9;
	[sflag:s14] =	ssyncadd.s32 $0xFFFFC000  }
0x2c: {  	[hbm4b:s23+s3] =	stream.linear.scatter [tilespmem:s12], [sflag:$0x3], $0x4000, $0x38;
	[tilespmem:$0xA200] =	vst v63  }
0x2d: {  	_ =	swait.ge [sflag:s15], $0x4000  }
0x2e: {  	[sflag:s15] =	ssyncset.done $0x0  }
0x2f: {  	s23 =	sadd.s32 $0xFFFFFF80, s21;
	[sflag:s15] =	ssyncadd.s32 $0xFFFFC000  }
0x30: {  	[tilespmem:s12], [sflag:$0x1] =	stream.indirect.gather [hbm4b:s2+s11], $0x80, s23, s11, $0xb8;
	[tilespmem:$0xA200] =	vst v63  }
0x31: {  	_ =	swait.ge [sflag:s16], $0x4000  }
0x32: {  	[sflag:s16] =	ssyncset.done $0x0  }
.Ltmp0:
0x33: {  	s22 =	sadd.s32 s22, s8;
	[sflag:s16] =	ssyncadd.s32 $0xFFFFC000;
	(pc) =	sbr.rel @p0 .LBB2_2-.Ltmp0, $4  }
0x34: {  	[hbm4b:s22+s3] =	stream.linear.scatter [tilespmem:s13], [sflag:$0x4], $0x4000, $0x38;
	[tilespmem:$0xA200] =	vst v63  }
0x35: {  	_ =	swait.ge [sflag:s17], $0x4000  }
0x36: {  	[sflag:s17] =	ssyncset.done $0x0  }
0x37: {  	s21 =	sadd.s32 $0x100, s21;
	[sflag:s17] =	ssyncadd.s32 $0xFFFFC000  }
0x38: {  	[tilespmem:s13], [sflag:$0x2] =	stream.indirect.gather [hbm4b:s2+s11], $0x80, s19, s11, $0xb8;
	[tilespmem:$0xA200] =	vst v63  }
0x39: {  	_ =	swait.ge [sflag:s14], $0x4000  }
0x3a: {  	[sflag:s14] =	ssyncset.done $0x0  }
0x3b: {  	[sflag:s14] =	ssyncadd.s32 $0xFFFFC000  }
0x3c: {  	[hbm4b:s6+s3] =	stream.linear.scatter [tilespmem:s12], [sflag:$0x3], $0x4000, $0x38;
	[tilespmem:$0xA200] =	vst v63  }
0x3d: {  	_ =	swait.ge [sflag:s16], $0x4000  }
0x3e: {  	[sflag:s16] =	ssyncset.done $0x0  }
0x3f: {  	s18 =	sadd.s32 $0x1, s18;
	[sflag:s16] =	ssyncadd.s32 $0xFFFFC000  }
0x40: {  	[hbm4b:s7+s3] =	stream.linear.scatter [tilespmem:s13], [sflag:$0x4], $0x4000, $0x38;
	[tilespmem:$0xA200] =	vst v63  }
0x41: {  	p0 =	sne.s32 s18, s5;
	_ =	swait.ge [sflag:s15], $0x4000  }
.Ltmp1:
0x42: {  	[sflag:s15] =	ssyncset.done $0x0;
	(pc) =	sbr.rel @p0 .LBB2_1-.Ltmp1, $4  }
0x43: {  	[sflag:s15] =	ssyncadd.s32 $0xFFFFC000  }
0x44: {  	_ =	swait.ge [sflag:s17], $0x4000  }
0x45: {  	[sflag:s17] =	ssyncset.done $0x0  }
0x46: {  	[sflag:s17] =	ssyncadd.s32 $0xFFFFC000  }
0x47: {  	_ =	sfence.sel $0x180000  }
0x48: {  	[bflag:$0x0] =	sbarrier.arrive $0xFFFF  }
0x49: {  	p0 =	sne.s32 s0, $0x0;
	_ =	strace $0x90000047  }
0x4a: {  	s0 =	sadd.s32 @!p0 $0x100000, s1;
	[bflag:$0x2] =	sbarrier.arrive $0xFFFF  }
0x4b: {  	[sflag:s0] =	ssyncadd.tile.s32 @!p0 $0x1;
	_ =	shalt  }
.Lfunc_end2:
_tile_overlayer_lowered:
.L_overlay_start_2:
0x4c: {  	(tag) =	ssettag $0x2  }
0x4d: {  	s0 =	rddreg [dreg:$0x0];
	s2 =	stileid.u32  }
0x4e: {  	s1 =	rddreg [dreg:$0x1];
	p0 =	sne.s32 s2, $0x0  }
0x4f: {  	s3 =	rddreg [dreg:$0x2];
	[bflag:$0x3] =	sbarrier.arrive $0xFFFF;
	s2 =	simm.s32 @!p0 $0x1C06  }
0x50: {  	[timem:s3], [sflag:s2] =	dma.local @!p0 [hbm:s0], s1  }
0x51: {  	s0 =	simm.s32 @!p0 $0x6  }
0x52: {  	_ =	swait.ge @!p0 [sflag:s0], s1  }
0x53: {  	s1 =	ssub.s32 @!p0 $0x0, s1;
	[sflag:s0] =	ssyncset.done @!p0 $0x0  }
0x54: {  	[sflag:s0] =	ssyncadd.s32 @!p0 s1  }
0x55: {  	[bflag:$0x3] =	sbarrier.arrive $0xFFFF  }
0x56: {  	_ =	shalt  }

// kernel: kernel.9.cloned.1.call-start
scs
__scs_entry_jumppad:
0x0: {  	(pc) =	sbr.rel $0x88, $3  }
0x1: {  	(tag) =	ssettag $0x0;
	lr =	simm.s32 $0x1  }
0x2: {  	[smem:$0x3F99] =	sst lr;
	_ =	strace $0xD0000000  }
0x3: {  	_ = 	snop  }
0x4: {  	_ = 	snop  }
0x5: {  	_ = 	snop  }
0x6: {  	_ = 	snop  }
0x7: {  	_ = 	snop  }
__scs_overlays_trampoline_lowered:
0x8: {  	[smem:$0x3FA8] =	sst s0  }
0x9: {  	[smem:$0x3FA9] =	sst s1  }
0xa: {  	[smem:$0x3FAA] =	sst s2  }
0xb: {  	[smem:$0x3FAB] =	sst s3  }
0xc: {  	[smem:$0x3FAC] =	sst s4  }
0xd: {  	[smem:$0x3FAD] =	sst s5  }
0xe: {  	[smem:$0x3FAE] =	sst s6  }
0xf: {  	[smem:$0x3FAF] =	sst s7  }
0x10: {  	[smem:$0x3FB0] =	sst s8  }
0x11: {  	[smem:$0x3FB1] =	sst s9;
	s0 =	simm.s32 @!p0 $0x0  }
0x12: {  	s1 =	sld [smem:$0x3F97];
	s0 =	simm.s32 @p0 $0x1  }
0x13: {  	[smem:$0x3FB2] =	sst s0;
	s0 =	simm.s32 @!p1 $0x0  }
0x14: {  	s2 =	sld [smem:$0x3F96];
	s0 =	simm.s32 @p1 $0x1  }
0x15: {  	[smem:$0x3FB3] =	sst s0;
	s0 =	simm.s32 @!p2 $0x0  }
0x16: {  	s3 =	sld [smem:$0x3FDB];
	s0 =	simm.s32 @p2 $0x1  }
0x17: {  	s4 =	simm.s32 $0x1BF5;
	[smem:$0x3FB5] =	sst s0  }
0x18: {  	s0 =	sld [smem:$0x3F98];
	_ =	swait.ge [sflag:s4], $0x0  }
0x19: {  	s7 =	sld [smem:$0x3F99]  }
0x1a: {  	s8 =	sadd.s32 $0xFFFFE003, lr  }
0x1b: {  	s9 =	sadd.s32 $0xFFFFFEF7, lr;
	s5 =	simm.s32 $0xFFFFFFFF;
	p2 =	slt.u32 s8, $0xFFFFF086  }
0x1c: {  	p1 =	slt.u32 s9, $0xF7A;
	s5 =	simm.s32 @!p2 $0x0  }
0x1d: {  	s5 =	simm.s32 @p1 $0x1;
	p0 =	seq.s32 s7, s2  }
0x1e: {  	s7 =	smul.u32 @!p0 $0xF7A, s2;
	p2 =	seq.s32 @!p0 s5, $0x0  }
0x1f: {  	s9 =	smul.u32 $0xF7A, s1;
	s8 =	simm.s32 @!p0 $0x1BF5;
	p2 =	por !p2, p0  }
0x20: {  	[sflag:s8] =	ssyncset.s32 @!p0 $0xFFFFF086;
	s6 =	sadd.s32 @!p0 s3, s7;
	s7 =	simm.s32 @!p0 $0x108  }
0x21: {  	s3 =	sadd.s32 s3, s9;
	s6 =	sadd.s32 @!p0 $0x88, s6;
	s7 =	simm.s32 @p2 $0x1082  }
0x22: {  	[simem:s7], [sflag:s8] =	dma.local @!p0 [hbm:s6], $0xF7A  }
0x23: {  	s9 =	sor.u32 $0xD0000000, s2;
	s6 =	simm.s32 $0x108;
	_ =	swait.ge @!p0 [sflag:s8], $0x0  }
0x24: {  	s3 =	sadd.s32 $0x88, s3;
	s6 =	simm.s32 @!p1 $0x1082;
	[sflag:s4] =	ssyncset.s32 $0xFFFFF086  }
0x25: {  	[simem:s6], [sflag:s4] =	dma.local [hbm:s3], $0xF7A  }
0x26: {  	[smem:$0x3F99] =	sst s1;
	(tag) =	ssettag s2;
	_ =	strace s9  }
0x27: {  	s1 =	sld [smem:$0x3FA9]  }
0x28: {  	s2 =	sld [smem:$0x3FAA]  }
0x29: {  	s4 =	sld [smem:$0x3FAC]  }
0x2a: {  	p0 =	seq.s32 s5, $0x0;
	s5 =	sld [smem:$0x3FAD]  }
0x2b: {  	s6 =	sld [smem:$0x3FAE]  }
0x2c: {  	s7 =	sld [smem:$0x3FAF]  }
0x2d: {  	s3 =	simm.s32 $0x108;
	s8 =	sld [smem:$0x3FB0]  }
0x2e: {  	s3 =	simm.s32 @!p0 $0x1082;
	s9 =	sld [smem:$0x3FB1]  }
0x2f: {  	lr =	sadd.s32 s0, s3;
	s0 =	sld [smem:$0x3FA8]  }
0x30: {  	s3 =	sld [smem:$0x3FAB]  }
0x31: {  	[smem:$0x3FB4] =	sst s10  }
0x32: {  	s10 =	sld [smem:$0x3FB2];
	_ =	sdelay $0x3  }
0x33: {  	p0 =	seq.s32 s10, $0x1;
	s10 =	sld [smem:$0x3FB4];
	_ =	sdelay $0x3  }
0x34: {  	[smem:$0x3FB4] =	sst s10  }
0x35: {  	s10 =	sld [smem:$0x3FB3];
	_ =	sdelay $0x3  }
0x36: {  	p1 =	seq.s32 s10, $0x1;
	s10 =	sld [smem:$0x3FB4];
	_ =	sdelay $0x3  }
0x37: {  	[smem:$0x3FB4] =	sst s10  }
0x38: {  	s10 =	sld [smem:$0x3FB5]  }
0x39: {  	_ = 	snop;
	(pc) =	sbr.ind lr, $3  }
0x3a: {  	_ = 	snop  }
0x3b: {  	_ = 	snop  }
0x3c: {  	p2 =	seq.s32 s10, $0x1;
	s10 =	sld [smem:$0x3FB4]  }
0x3d: {  	_ =	shalt  }
0x3e: {  	_ =	shalt  }
0x3f: {  	_ =	shalt  }
0x40: {  	_ =	shalt  }
0x41: {  	_ =	shalt  }
0x42: {  	_ =	shalt  }
0x43: {  	_ =	shalt  }
0x44: {  	_ =	shalt  }
0x45: {  	_ =	shalt  }
0x46: {  	_ =	shalt  }
0x47: {  	_ =	shalt  }
0x48: {  	_ =	shalt  }
0x49: {  	_ =	shalt  }
0x4a: {  	_ =	shalt  }
0x4b: {  	_ =	shalt  }
0x4c: {  	_ =	shalt  }
0x4d: {  	_ =	shalt  }
0x4e: {  	_ =	shalt  }
0x4f: {  	_ =	shalt  }
0x50: {  	_ =	shalt  }
0x51: {  	_ =	shalt  }
0x52: {  	_ =	shalt  }
0x53: {  	_ =	shalt  }
0x54: {  	_ =	shalt  }
0x55: {  	_ =	shalt  }
0x56: {  	_ =	shalt  }
0x57: {  	_ =	shalt  }
0x58: {  	_ =	shalt  }
0x59: {  	_ =	shalt  }
0x5a: {  	_ =	shalt  }
0x5b: {  	_ =	shalt  }
0x5c: {  	_ =	shalt  }
0x5d: {  	_ =	shalt  }
0x5e: {  	_ =	shalt  }
0x5f: {  	_ =	shalt  }
0x60: {  	_ =	shalt  }
0x61: {  	_ =	shalt  }
0x62: {  	_ =	shalt  }
0x63: {  	_ =	shalt  }
0x64: {  	_ =	shalt  }
0x65: {  	_ =	shalt  }
0x66: {  	_ =	shalt  }
0x67: {  	_ =	shalt  }
0x68: {  	_ =	shalt  }
0x69: {  	_ =	shalt  }
0x6a: {  	_ =	shalt  }
0x6b: {  	_ =	shalt  }
0x6c: {  	_ =	shalt  }
0x6d: {  	_ =	shalt  }
0x6e: {  	_ =	shalt  }
0x6f: {  	_ =	shalt  }
0x70: {  	_ =	shalt  }
0x71: {  	_ =	shalt  }
0x72: {  	_ =	shalt  }
0x73: {  	_ =	shalt  }
0x74: {  	_ =	shalt  }
0x75: {  	_ =	shalt  }
0x76: {  	_ =	shalt  }
0x77: {  	_ =	shalt  }
0x78: {  	_ =	shalt  }
0x79: {  	_ =	shalt  }
0x7a: {  	_ =	shalt  }
0x7b: {  	_ =	shalt  }
0x7c: {  	_ =	shalt  }
0x7d: {  	_ =	shalt  }
0x7e: {  	_ =	shalt  }
0x7f: {  	_ =	shalt  }
0x80: {  	_ =	shalt  }
0x81: {  	_ =	shalt  }
0x82: {  	_ =	shalt  }
0x83: {  	_ =	shalt  }
0x84: {  	_ =	shalt  }
0x85: {  	_ =	shalt  }
0x86: {  	_ =	shalt  }
0x87: {  	_ =	shalt  }
.Lfunc_end0:
.L_simem_size_0:
called_computation.1_lowered:
.L_overlay_start_0:
0x88: {  	s2 =	sld [smem:$0x3FD9]  }
0x89: {  	s3 =	sld [smem:$0x3FFE];
	_ =	sdelay $0x1  }
0x8a: {  	s1 =	srdreg.scid  }
0x8b: {  	s0 =	sand.u32 $0x1, s1  }
0x8c: {  	s17 =	sshll.u32 s0, $0xA;
	s2 =	sadd.s32 s3, s2  }
0x8d: {  	s2 =	sadd.s32 s2, s17  }
0x8e: {  	[smem:$0x3FC0] =	sst s2  }
0x8f: {  	_ = 	snop  }
0x90: {  	s2 =	sld [smem:$0x3FD0];
	(tm) =	ssettm $0x1  }
0x91: {  	s18 =	sld [smem:$0x3FFB];
	_ =	sdelay $0x3  }
0x92: {  	_ =	strace s18  }
0x93: {  	s3 =	sld [smem:$0x3FFC];
	_ =	sdelay $0x3  }
0x94: {  	_ =	strace s3  }
0x95: {  	s3 =	sld [smem:$0x3FFD];
	_ =	sdelay $0x3  }
0x96: {  	_ =	strace s3  }
0x97: {  	_ =	strace $0x8FFFFFFF  }
0x98: {  	s19 =	sld [smem:$0x3FDB];
	_ =	sdelay $0x1  }
0x99: {  	s4 =	simm.s32 $_scs_section_size  }
0x9a: {  	s5 =	simm.s32 $_size__tile_overlayer_lowered;
	s6 =	simm.s32 $_tile_overlayer_lowered  }
0x9b: {  	s22 =	simm.s32 $0x1BFF;
	s21 =	sshll.u32 s6, $0x1;
	s3 =	sadd.s32 s4, s19  }
0x9c: {  	s7 =	simm.s32 $0x0;
	s20 =	sshll.u32 s5, $0x1;
	s5 =	sadd.s32 s21, s3  }
0x9d: {  	[timem:s7], [sflag:s22] =	dma.local [hbm:s5], s20  }
0x9e: {  	_ =	swait.ge [sflag:s22], s20  }
0x9f: {  	s4 =	ssub.s32 $0x0, s20;
	[sflag:s22] =	ssyncset.done $0x0  }
0xa0: {  	[sflag:s22] =	ssyncadd.s32 s4;
	_ =	sdelay $0x1  }
0xa1: {  	s23 =	simm.s32 $0x1B8B  }
0xa2: {  	_ =	swait.ge [sflag:s23], $0x1  }
0xa3: {  	[sflag:s23] =	ssyncset.done $0x0  }
0xa4: {  	s25 =	simm.s32 $0x1B8E;
	s24 =	sld [smem:$0x3FFE];
	[sflag:s23] =	ssyncadd.s32 $0xFFFFFFFF  }
0xa5: {  	s26 =	simm.s32 $execute0_lowered;
	[smem:$0x3FD2] =	sst s25  }
0xa6: {  	s5 =	sshll.u32 s26, $0x1;
	_ =	strace $0x80000049;
	[dreg:$0x1] =	wrdreg $0xFFFFFFFF  }
0xa7: {  	s28 =	simm.s32 $_size_execute0_lowered;
	s3 =	sadd.s32 s3, s5;
	[dreg:$0x0] =	wrdreg $0x0  }
0xa8: {  	s5 =	sshll.u32 s28, $0x1;
	[dreg:$0x2] =	wrdreg s3  }
0xa9: {  	[dreg:$0x3] =	wrdreg s5  }
0xaa: {  	[dreg:$0x4] =	wrdreg $0xC0  }
0xab: {  	_ =	task [dreg:s7], $0x5FFFF  }
0xac: {  	[dreg:$0x1] =	wrdreg $0xFFFFFFFF  }
0xad: {  	[dreg:$0x0] =	wrdreg $0x60  }
0xae: {  	[dreg:$0x2] =	wrdreg s2  }
0xaf: {  	[dreg:$0x3] =	wrdreg s24  }
0xb0: {  	[dreg:$0x4] =	wrdreg $0x9  }
0xb1: {  	_ =	task.clear_ibuf [dreg:s7], $0x5FFFF;
	_ =	strace $0x90000049  }
0xb2: {  	s29 =	simm.s32 $0x9;
	_ =	strace $0x8000004B  }
0xb3: {  	_ =	swait.ge [sflag:s29], $0x1  }
0xb4: {  	[sflag:s29] =	ssyncadd.s32 $0xFFFFFFFF  }
0xb5: {  	_ =	strace $0x9000004B  }
0xb6: {  	_ =	sfence  }
0xb7: {  	s30 =	sld [smem:$0x0];
	_ =	sdelay $0x2  }
0xb8: {  	s31 =	sshll.u32 s1, $0xD;
	s1 =	sshrl.u32 s1, $0x2  }
0xb9: {  	s3 =	sand.u32 $0x4000, s31;
	s1 =	sadd.s32 s1, s30  }
0xba: {  	s0 =	sor.u32 s3, s0;
	s1 =	sshll.u32 s1, $0x11  }
0xbb: {  	s0 =	sor.u32 s1, s0  }
0xbc: {  	s0 =	sadd.s32 $0x8F2B, s0  }
0xbd: {  	[sflag:s0] =	ssyncadd.remote.s32 $0x1  }
0xbe: {  	_ =	sfence.sel $0xFFFF  }
0xbf: {  	[dreg:$0x0] =	wrdreg $0xFFFFFFFF;
	(pc) =	sbr.abs _section_cstart, $3  }
0xc0: {  	[dreg:$0x1] =	wrdreg $0xFFFFFFFF  }
0xc1: {  	_ =	task.clear_ibuf [dreg:s7], $0x2FFFF;
	_ =	strace $0x9FFFFFFF  }
0xc2: {  	(tm) =	ssettm $0x7FFFFFFF  }
0xc3: {  	_ =	shalt  }
tec
execute0_lowered:
.L_overlay_start_1:
0x0: {  	(tag) =	ssettag $0x1  }
0x1: {  	s1 =	srdreg.scid  }
0x2: {  	s0 =	stileid.u32;
	s2 =	rddreg [dreg:$0x0]  }
0x3: {  	s4 =	rddreg [dreg:$0x1];
	s3 =	simm.s32 $0x0;
	s14 =	simm.s32 $0x1  }
0x4: {  	s15 =	simm.s32 $0x3;
	s16 =	simm.s32 $0x2;
	s11 =	smul.u32 $0x44000, s0  }
0x5: {  	s17 =	simm.s32 $0x4;
	s6 =	sand.u32 $0x1, s1;
	s28 =	smul.u32 $0x220000, s0  }
0x6: {  	s18 =	simm.s32 $0x0;
	s24 =	sshll.u32 s0, $0x1;
	s13 =	smul.u32 $0x110000, s6  }
0x7: {  	s1 =	rddreg [dreg:$0x2];
	s5 =	sor.u32 s6, s24;
	s30 =	smul.u32 $0x22000, s6  }
0x8: {  	[smem:$0x7FF] =	sst s3;
	s12 =	sadd.s32 $0x9400, s4;
	s7 =	smul.u32 $0x440, s5  }
0x9: {  	_ =	strace $0x8000004A;
	s9 =	ssub.s32 $0x2, s6;
	s8 =	smul.u32 $0x110000, s5  }
0xa: {  	s10 =	smul.u32 $0x22000, s5;
	s26 =	sshrl.u32 s9, $0x1;
	s31 =	sadd.s32 s11, s12  }
0xb: {  	s11 =	simm.s32 $0x80;
	s25 =	sadd.s32 s7, s4;
	s7 =	ssub.s32 s9, s26  }
0xc: {  	s8 =	sshrl.u32 s8, $0x3;
	s9 =	sadd.s32 s13, s28;
	s10 =	sadd.s32 s10, s12  }
0xd: {  	s13 =	simm.s32 $0x6200;
	s4 =	sadd.s32 $0xC00, s25;
	s5 =	smax.u32 s7, $0x1  }
0xe: {  	s29 =	sadd.s32 s12, s8;
	s8 =	sadd.s32 s30, s31;
	s9 =	sshrl.u32 s9, $0x3  }
0xf: {  	s7 =	sadd.s32 $0x21800, s10;
	s10 =	simm.s32 $0x5;
	s6 =	sadd.s32 $0x21000, s29  }
0x10: {  	s8 =	sadd.s32 $0x800, s8;
	s9 =	sadd.s32 s9, s12;
	s12 =	simm.s32 $0x2200  }
.LBB2_1:
0x11: {  	[tilespmem:s3], [sflag:$0x5] =	stream.linear.gather [hbm4b:s4+s3], $0x2200, $0x38;
	[tilespmem:$0xA200] =	vst v63  }
0x12: {  	_ =	swait.ge [sflag:s10], $0x2200  }
0x13: {  	[sflag:s10] =	ssyncset.done $0x0  }
0x14: {  	[sflag:s10] =	ssyncadd.s32 $0xFFFFDE00  }
0x15: {  	[tilespmem:s12], [sflag:$0x1] =	stream.indirect.gather [hbm4b:s2+s11], $0x80, s3, s11, $0xb8;
	[tilespmem:$0xA200] =	vst v63  }
0x16: {  	_ = 	snop  }
0x17: {  	[tilespmem:s13], [sflag:$0x2] =	stream.indirect.gather [hbm4b:s2+s11], $0x80, s11, s11, $0xb8;
	[tilespmem:$0xA200] =	vst v63  }
0x18: {  	_ =	swait.ge [sflag:s14], $0x4000  }
0x19: {  	[sflag:s14] =	ssyncset.done $0x0  }
0x1a: {  	s19 =	sadd.s32 $0x0, s9;
	[sflag:s14] =	ssyncadd.s32 $0xFFFFC000  }
0x1b: {  	[hbm4b:s19+s3] =	stream.linear.scatter [tilespmem:s12], [sflag:$0x3], $0x4000, $0x38;
	[tilespmem:$0xA200] =	vst v63  }
0x1c: {  	_ =	swait.ge [sflag:s15], $0x4000  }
0x1d: {  	[sflag:s15] =	ssyncset.done $0x0  }
0x1e: {  	s30 =	simm.s32 $0x100;
	[sflag:s15] =	ssyncadd.s32 $0xFFFFC000  }
0x1f: {  	[tilespmem:s12], [sflag:$0x1] =	stream.indirect.gather [hbm4b:s2+s11], $0x80, s30, s11, $0xb8;
	[tilespmem:$0xA200] =	vst v63  }
0x20: {  	_ =	swait.ge [sflag:s16], $0x4000  }
0x21: {  	[sflag:s16] =	ssyncset.done $0x0  }
0x22: {  	s31 =	sadd.s32 $0x0, s8;
	[sflag:s16] =	ssyncadd.s32 $0xFFFFC000  }
0x23: {  	[hbm4b:s31+s3] =	stream.linear.scatter [tilespmem:s13], [sflag:$0x4], $0x4000, $0x38;
	[tilespmem:$0xA200] =	vst v63  }
0x24: {  	_ =	swait.ge [sflag:s17], $0x4000  }
0x25: {  	s20 =	simm.s32 $0x1000;
	[sflag:s17] =	ssyncset.done $0x0  }
0x26: {  	s21 =	simm.s32 $0x280;
	s19 =	simm.s32 $0x180;
	[sflag:s17] =	ssyncadd.s32 $0xFFFFC000  }
.LBB2_2:
0x27: {  	[tilespmem:s13], [sflag:$0x2] =	stream.indirect.gather [hbm4b:s2+s11], $0x80, s19, s11, $0xb8;
	[tilespmem:$0xA200] =	vst v63  }
0x28: {  	s22 =	smov.u32 s20;
	s19 =	smov.u32 s21  }
0x29: {  	p0 =	sne.s32 s20, $0x20000;
	s20 =	sadd.s32 $0x1000, s20;
	_ =	swait.ge [sflag:s14], $0x4000  }
0x2a: {  	[sflag:s14] =	ssyncset.done $0x0  }
0x2b: {  	s23 =	sadd.s32 s22, s9;
	[sflag:s14] =	ssyncadd.s32 $0xFFFFC000  }
0x2c: {  	[hbm4b:s23+s3] =	stream.linear.scatter [tilespmem:s12], [sflag:$0x3], $0x4000, $0x38;
	[tilespmem:$0xA200] =	vst v63  }
0x2d: {  	_ =	swait.ge [sflag:s15], $0x4000  }
0x2e: {  	[sflag:s15] =	ssyncset.done $0x0  }
0x2f: {  	s23 =	sadd.s32 $0xFFFFFF80, s21;
	[sflag:s15] =	ssyncadd.s32 $0xFFFFC000  }
0x30: {  	[tilespmem:s12], [sflag:$0x1] =	stream.indirect.gather [hbm4b:s2+s11], $0x80, s23, s11, $0xb8;
	[tilespmem:$0xA200] =	vst v63  }
0x31: {  	_ =	swait.ge [sflag:s16], $0x4000  }
0x32: {  	[sflag:s16] =	ssyncset.done $0x0  }
.Ltmp0:
0x33: {  	s22 =	sadd.s32 s22, s8;
	[sflag:s16] =	ssyncadd.s32 $0xFFFFC000;
	(pc) =	sbr.rel @p0 .LBB2_2-.Ltmp0, $4  }
0x34: {  	[hbm4b:s22+s3] =	stream.linear.scatter [tilespmem:s13], [sflag:$0x4], $0x4000, $0x38;
	[tilespmem:$0xA200] =	vst v63  }
0x35: {  	_ =	swait.ge [sflag:s17], $0x4000  }
0x36: {  	[sflag:s17] =	ssyncset.done $0x0  }
0x37: {  	s21 =	sadd.s32 $0x100, s21;
	[sflag:s17] =	ssyncadd.s32 $0xFFFFC000  }
0x38: {  	[tilespmem:s13], [sflag:$0x2] =	stream.indirect.gather [hbm4b:s2+s11], $0x80, s19, s11, $0xb8;
	[tilespmem:$0xA200] =	vst v63  }
0x39: {  	_ =	swait.ge [sflag:s14], $0x4000  }
0x3a: {  	[sflag:s14] =	ssyncset.done $0x0  }
0x3b: {  	[sflag:s14] =	ssyncadd.s32 $0xFFFFC000  }
0x3c: {  	[hbm4b:s6+s3] =	stream.linear.scatter [tilespmem:s12], [sflag:$0x3], $0x4000, $0x38;
	[tilespmem:$0xA200] =	vst v63  }
0x3d: {  	_ =	swait.ge [sflag:s16], $0x4000  }
0x3e: {  	[sflag:s16] =	ssyncset.done $0x0  }
0x3f: {  	s18 =	sadd.s32 $0x1, s18;
	[sflag:s16] =	ssyncadd.s32 $0xFFFFC000  }
0x40: {  	[hbm4b:s7+s3] =	stream.linear.scatter [tilespmem:s13], [sflag:$0x4], $0x4000, $0x38;
	[tilespmem:$0xA200] =	vst v63  }
0x41: {  	p0 =	sne.s32 s18, s5;
	_ =	swait.ge [sflag:s15], $0x4000  }
.Ltmp1:
0x42: {  	[sflag:s15] =	ssyncset.done $0x0;
	(pc) =	sbr.rel @p0 .LBB2_1-.Ltmp1, $4  }
0x43: {  	[sflag:s15] =	ssyncadd.s32 $0xFFFFC000  }
0x44: {  	_ =	swait.ge [sflag:s17], $0x4000  }
0x45: {  	[sflag:s17] =	ssyncset.done $0x0  }
0x46: {  	[sflag:s17] =	ssyncadd.s32 $0xFFFFC000  }
0x47: {  	_ =	sfence.sel $0x180000  }
0x48: {  	[bflag:$0x0] =	sbarrier.arrive $0xFFFF  }
0x49: {  	p0 =	sne.s32 s0, $0x0;
	_ =	strace $0x9000004A  }
0x4a: {  	s0 =	sadd.s32 @!p0 $0x100000, s1;
	[bflag:$0x2] =	sbarrier.arrive $0xFFFF  }
0x4b: {  	[sflag:s0] =	ssyncadd.tile.s32 @!p0 $0x1;
	_ =	shalt  }
.Lfunc_end2:
_tile_overlayer_lowered:
.L_overlay_start_2:
0x4c: {  	(tag) =	ssettag $0x2  }
0x4d: {  	s0 =	rddreg [dreg:$0x0];
	s2 =	stileid.u32  }
0x4e: {  	s1 =	rddreg [dreg:$0x1];
	p0 =	sne.s32 s2, $0x0  }
0x4f: {  	s3 =	rddreg [dreg:$0x2];
	[bflag:$0x3] =	sbarrier.arrive $0xFFFF;
	s2 =	simm.s32 @!p0 $0x1C06  }
0x50: {  	[timem:s3], [sflag:s2] =	dma.local @!p0 [hbm:s0], s1  }
0x51: {  	s0 =	simm.s32 @!p0 $0x6  }
0x52: {  	_ =	swait.ge @!p0 [sflag:s0], s1  }
0x53: {  	s1 =	ssub.s32 @!p0 $0x0, s1;
	[sflag:s0] =	ssyncset.done @!p0 $0x0  }
0x54: {  	[sflag:s0] =	ssyncadd.s32 @!p0 s1  }
0x55: {  	[bflag:$0x3] =	sbarrier.arrive $0xFFFF  }
0x56: {  	_ =	shalt  }

</sc_bundles>
